<compile_context>
chip_gen: v7x
topology: tpu7x:2x2x1
jax: 0.10.2.dev20260603
libtpu: 0.0.44.dev20260713+nightly
codegen_flags: <defaults>
</compile_context>

<pallas_src>
import functools

import jax
import jax.numpy as jnp
from jax import lax
from jax.experimental import pallas as pl
from jax.experimental.pallas import tpu as pltpu
from jax.experimental.pallas import tpu_sc as plsc

_A = 3
_C = 80
_H = 64
_W = 64
_NS = 24
_K = 8
_Q = 8
_ROWS = _H // _Q
_POS = _ROWS * _W
_ANC_W = (10.0 / 32.0, 16.0 / 32.0, 33.0 / 32.0)
_ANC_H = (13.0 / 32.0, 30.0 / 32.0, 23.0 / 32.0)

_mesh = plsc.VectorSubcoreMesh(core_axis_name="c", subcore_axis_name="s")


@functools.partial(
    pl.kernel,
    mesh=_mesh,
    out_type=[
        jax.ShapeDtypeStruct((_NS, _Q, _POS), jnp.float32),
        jax.ShapeDtypeStruct((_NS, _Q, _POS), jnp.int32),
    ],
    scratch_types=[
        pltpu.VMEM((_C, _ROWS, _W), jnp.float32),
        pltpu.VMEM((_POS,), jnp.float32),
        pltpu.VMEM((_POS,), jnp.int32),
        pltpu.SemaphoreType.DMA,
    ],
)
def _sc_classred(in_hbm, cc_hbm, id_hbm, lbuf, cbuf, ibuf, sem):
    wid = lax.axis_index("s") * 2 + lax.axis_index("c")

    def do_chunk(q, _):
        slab = q // _Q
        chunk = lax.rem(q, _Q)
        b = slab // _A
        a = lax.rem(slab, _A)
        pltpu.async_copy(
            in_hbm.at[b, pl.ds(a * (5 + _C) + 5, _C),
                      pl.ds(chunk * _ROWS, _ROWS)],
            lbuf,
            sem,
        ).wait()

        def do_row(y, _):
            def do_class4(c4, carry):
                bests, bidxs, ssums = carry
                for k in range(4):
                    c = c4 * 4 + k
                    for xg in range(4):
                        v = lbuf[c, y, pl.ds(xg * 16, 16)]
                        gt = v > bests[xg]
                        bests[xg] = jnp.where(gt, v, bests[xg])
                        bidxs[xg] = jnp.where(gt, c, bidxs[xg])
                        ssums[xg] = ssums[xg] + jnp.exp(v)
                return bests, bidxs, ssums

            neg_inf = jnp.full((16,), -jnp.inf, jnp.float32)
            zf = jnp.zeros((16,), jnp.float32)
            zi = jnp.zeros((16,), jnp.int32)
            bests, bidxs, ssums = lax.fori_loop(
                0, _C // 4, do_class4,
                ([neg_inf] * 4, [zi] * 4, [zf] * 4))
            for xg in range(4):
                cbuf[pl.ds(y * _W + xg * 16, 16)] = (
                    jnp.exp(bests[xg]) / ssums[xg])
                ibuf[pl.ds(y * _W + xg * 16, 16)] = bidxs[xg]
            return 0

        lax.fori_loop(0, _ROWS, do_row, 0)
        pltpu.sync_copy(cbuf, cc_hbm.at[slab, chunk])
        pltpu.sync_copy(ibuf, id_hbm.at[slab, chunk])
        return 0

    lax.fori_loop(wid * 6, wid * 6 + 6, do_chunk, 0)


def _tc_kernel(thr_ref, in_ref, bo_ref, mk_ref, buf_ref, sem_ref):
    def slab_copy(i, slot):
        b = i // _A
        a = i % _A
        return pltpu.make_async_copy(
            in_ref.at[b, pl.ds(a * (5 + _C), 5)],
            buf_ref.at[slot],
            sem_ref.at[slot],
        )

    for i in range(_K):
        slab_copy(i, i).start()

    gx = jax.lax.broadcasted_iota(jnp.int32, (_H, _W), 1).astype(jnp.float32)
    gy = jax.lax.broadcasted_iota(jnp.int32, (_H, _W), 0).astype(jnp.float32)
    inv_w = jnp.float32(1.0 / _W)
    inv_h = jnp.float32(1.0 / _H)
    thr = thr_ref[0]

    def body(i, _):
        slot = jax.lax.rem(i, _K)
        a = jax.lax.rem(i, _A)
        slab_copy(i, slot).wait()
        o = buf_ref[slot]

        aw = jnp.where(a == 0, _ANC_W[0],
                       jnp.where(a == 1, _ANC_W[1], _ANC_W[2]))
        ah = jnp.where(a == 0, _ANC_H[0],
                       jnp.where(a == 1, _ANC_H[1], _ANC_H[2]))

        det = jax.nn.sigmoid(o[4])
        bo_ref[i, 0] = (jax.nn.sigmoid(o[0]) + gx) * inv_w
        bo_ref[i, 1] = (jax.nn.sigmoid(o[1]) + gy) * inv_h
        bo_ref[i, 2] = jnp.exp(o[2]) * (aw * inv_w)
        bo_ref[i, 3] = jnp.exp(o[3]) * (ah * inv_h)
        bo_ref[i, 4] = det
        mk_ref[i] = det > thr

        @pl.when(i + _K < _NS)
        def _():
            slab_copy(i + _K, slot).start()

        return 0

    jax.lax.fori_loop(0, _NS, body, 0)


@jax.jit
def _decode(output, thr):
    cc, ids = _sc_classred(output)
    bo5, mk = pl.pallas_call(
        _tc_kernel,
        in_specs=[
            pl.BlockSpec(memory_space=pltpu.SMEM),
            pl.BlockSpec(memory_space=pl.ANY),
        ],
        out_specs=[
            pl.BlockSpec(memory_space=pltpu.VMEM),
            pl.BlockSpec(memory_space=pltpu.VMEM),
        ],
        out_shape=[
            jax.ShapeDtypeStruct((_NS, 5, _H, _W), jnp.float32),
            jax.ShapeDtypeStruct((_NS, _H, _W), jnp.bool_),
        ],
        scratch_shapes=[
            pltpu.VMEM((_K, 5, _H, _W), jnp.float32),
            pltpu.SemaphoreType.DMA((_K,)),
        ],
    )(thr, output)
    return bo5, cc, ids, mk


def kernel(output, nms_thresh):
    b, ch, h, w = output.shape
    thr = jnp.asarray(nms_thresh, dtype=jnp.float32).reshape(1)
    bo5, cc, ids, mk = _decode(output, thr)
    n = b * _A * h * w
    fields6 = jnp.concatenate(
        [bo5, cc.reshape(_NS, 1, _H, _W)], axis=1)
    boxes = jnp.transpose(fields6, (0, 2, 3, 1)).reshape(n, 6)
    cls_max_ids = ids.reshape(n)
    keep_mask = mk.reshape(n)
    return boxes, cls_max_ids, keep_mask

# --- scband reference (transcript-rebuilt; emitter-appended) ---
"""Pipeline reference for scband-yolo-layer-25872882991901 (READ-ONLY COPY).

The authoritative reference and input builder live on the scoring server;
editing this copy changes nothing except your own understanding.
"""

import jax, jax.numpy as jnp
import numpy as np

ANCHORS = [10, 13, 16, 30, 33, 23, 30, 61, 62, 45, 59, 119, 116, 90, 156, 198, 373, 326]
ANCHOR_MASK = [0, 1, 2]
NUM_CLASSES = 80
NUM_ANCHORS_TOTAL = 9
STRIDE = 32


def setup_inputs(seed: int = 0) -> dict:
    key = jax.random.key(seed)
    output = jax.random.normal(key, (8, 255, 64, 64), dtype=jnp.float32)
    return {"output": output, "nms_thresh": 0}


def reference(output, nms_thresh):
    # YoloLayer.forward: build masked anchors (scaled by stride), then get_region_boxes
    anchor_step = len(ANCHORS) // NUM_ANCHORS_TOTAL
    masked = []
    for m in ANCHOR_MASK:
        masked += ANCHORS[m * anchor_step:(m + 1) * anchor_step]
    masked = [a / STRIDE for a in masked]
    A = len(ANCHOR_MASK)
    C = NUM_CLASSES
    B, ch, H, W = output.shape
    assert ch == (5 + C) * A
    o = output.reshape(B * A, 5 + C, H * W)
    o = jnp.transpose(o, (1, 0, 2)).reshape(5 + C, B * A * H * W)
    grid_x = jnp.tile(jnp.tile(jnp.arange(W, dtype=output.dtype), (H, 1)).reshape(-1), B * A)
    grid_y = jnp.tile(jnp.tile(jnp.arange(H, dtype=output.dtype)[:, None], (1, W)).reshape(-1), B * A)
    anc = jnp.array(masked, dtype=output.dtype).reshape(A, anchor_step)
    anchor_w = jnp.repeat(jnp.tile(anc[:, 0], B), H * W)
    anchor_h = jnp.repeat(jnp.tile(anc[:, 1], B), H * W)
    xs = jax.nn.sigmoid(o[0]) + grid_x
    ys = jax.nn.sigmoid(o[1]) + grid_y
    ws = jnp.exp(o[2]) * anchor_w
    hs = jnp.exp(o[3]) * anchor_h
    det_confs = jax.nn.sigmoid(o[4])
    cls_confs = jax.nn.softmax(jnp.transpose(o[5:5 + C]), axis=1)
    cls_max_confs = jnp.max(cls_confs, axis=1)
    cls_max_ids = jnp.argmax(cls_confs, axis=1)
    # dense equivalent of the per-box python loop: normalized box fields + keep mask
    boxes = jnp.stack([xs / W, ys / H, ws / W, hs / H, det_confs, cls_max_confs], axis=1)
    keep_mask = det_confs > jnp.asarray(nms_thresh, dtype=output.dtype)
    return boxes, cls_max_ids, keep_mask

if __name__ == "__main__":
    import jax
    _d = setup_inputs()
    print(jax.jit(kernel)(*tuple(_d.values())))

</pallas_src>

<mosaic_0001>
#map = affine_map<(d0, d1) -> (0, 0, 0, 0)>
#map1 = affine_map<(d0, d1) -> (0, 0, 0)>
module attributes {stable_mosaic.version = 14 : i64} {
  func.func @_sc_classred(%arg0: i32, %arg1: i32, %arg2: memref<8x255x64x64xf32, #tpu.memory_space<hbm>>, %arg3: memref<24x8x512xf32, #tpu.memory_space<hbm>>, %arg4: memref<24x8x512xi32, #tpu.memory_space<hbm>>, %arg5: memref<80x8x64xf32, #tpu.memory_space<vmem>>, %arg6: memref<512xf32, #tpu.memory_space<vmem>>, %arg7: memref<512xi32, #tpu.memory_space<vmem>>, %arg8: memref<!tpu.dma_semaphore, #tpu.memory_space<semaphore_mem>>) attributes {dimension_semantics = [#tpu.dimension_semantics<core_parallel>, #tpu.dimension_semantics<subcore_parallel>], iteration_bounds = array<i64: 2, 16>, scalar_prefetch = 0 : i64, scratch_operands = 4 : i64, tpu.core_type = #tpu.core_type<sc_vector_subcore>, window_params = [{transform_indices = #map}, {transform_indices = #map1}, {transform_indices = #map1}]} {
    %mul3A = arith.constant 2 : i32
    %mul3A_0 = arith.muli %arg1, %mul3A : i32
    %add3A = arith.addi %mul3A_0, %arg0 : i32
    %mul3A_1 = arith.constant 6 : i32
    %mul3A_2 = arith.muli %add3A, %mul3A_1 : i32
    %mul3A_3 = arith.constant 6 : i32
    %mul3A_4 = arith.muli %add3A, %mul3A_3 : i32
    %add3A_5 = arith.constant 6 : i32
    %add3A_6 = arith.addi %mul3A_4, %add3A_5 : i32
    %while3A = arith.constant 0 : i32
    %while3A_7 = arith.subi %add3A_6, %mul3A_2 : i32
    %while3A_8 = arith.addi %mul3A_2, %while3A_7 : i32
    %while3A_9 = arith.constant 1 : i32
    %while3A_10 = arith.divsi %while3A_7, %while3A_9 : i32
    %while3A_11 = arith.muli %while3A_10, %while3A_9 : i32
    %while3A_12 = arith.addi %mul3A_2, %while3A_11 : i32
    %while3A_13 = arith.constant 1 : i32
    %while3A_14 = scf.for %while3A_17 = %mul3A_2 to %while3A_12 step %while3A_13 iter_args(%while3A_18 = %while3A) -> (i32)  : i32 {
      %jit3A = arith.constant 8 : i32
      %div3A = arith.divsi %while3A_17, %jit3A : i32
      %sign3A = arith.constant 0 : i32
      %sign3A_19 = arith.cmpi sgt, %while3A_17, %sign3A : i32
      %sign3A_20 = arith.extui %sign3A_19 : i1 to i32
      %sign3A_21 = arith.constant 0 : i32
      %sign3A_22 = arith.cmpi slt, %while3A_17, %sign3A_21 : i32
      %sign3A_23 = arith.extui %sign3A_22 : i1 to i32
      %sign3A_24 = arith.subi %sign3A_20, %sign3A_23 : i32
      %sign3A_25 = arith.constant 0 : i32
      %sign3A_26 = arith.cmpi sgt, %jit3A, %sign3A_25 : i32
      %sign3A_27 = arith.extui %sign3A_26 : i1 to i32
      %sign3A_28 = arith.constant 0 : i32
      %sign3A_29 = arith.cmpi slt, %jit3A, %sign3A_28 : i32
      %sign3A_30 = arith.extui %sign3A_29 : i1 to i32
      %sign3A_31 = arith.subi %sign3A_27, %sign3A_30 : i32
      %ne3A = arith.cmpi ne, %sign3A_24, %sign3A_31 : i32
      %rem3A = arith.remsi %while3A_17, %jit3A : i32
      %ne3A_32 = arith.constant 0 : i32
      %ne3A_33 = arith.cmpi ne, %rem3A, %ne3A_32 : i32
      %and3A = arith.andi %ne3A, %ne3A_33 : i1
      %sub3A = arith.constant 1 : i32
      %sub3A_34 = arith.subi %div3A, %sub3A : i32
      %select_n3A = arith.select %and3A, %sub3A_34, %div3A : i32
      %rem3A_35 = arith.constant 8 : i32
      %rem3A_36 = arith.remsi %while3A_17, %rem3A_35 : i32
      %jit3A_37 = arith.constant 3 : i32
      %div3A_38 = arith.divsi %select_n3A, %jit3A_37 : i32
      %sign3A_39 = arith.constant 0 : i32
      %sign3A_40 = arith.cmpi sgt, %select_n3A, %sign3A_39 : i32
      %sign3A_41 = arith.extui %sign3A_40 : i1 to i32
      %sign3A_42 = arith.constant 0 : i32
      %sign3A_43 = arith.cmpi slt, %select_n3A, %sign3A_42 : i32
      %sign3A_44 = arith.extui %sign3A_43 : i1 to i32
      %sign3A_45 = arith.subi %sign3A_41, %sign3A_44 : i32
      %sign3A_46 = arith.constant 0 : i32
      %sign3A_47 = arith.cmpi sgt, %jit3A_37, %sign3A_46 : i32
      %sign3A_48 = arith.extui %sign3A_47 : i1 to i32
      %sign3A_49 = arith.constant 0 : i32
      %sign3A_50 = arith.cmpi slt, %jit3A_37, %sign3A_49 : i32
      %sign3A_51 = arith.extui %sign3A_50 : i1 to i32
      %sign3A_52 = arith.subi %sign3A_48, %sign3A_51 : i32
      %ne3A_53 = arith.cmpi ne, %sign3A_45, %sign3A_52 : i32
      %rem3A_54 = arith.remsi %select_n3A, %jit3A_37 : i32
      %ne3A_55 = arith.constant 0 : i32
      %ne3A_56 = arith.cmpi ne, %rem3A_54, %ne3A_55 : i32
      %and3A_57 = arith.andi %ne3A_53, %ne3A_56 : i1
      %sub3A_58 = arith.constant 1 : i32
      %sub3A_59 = arith.subi %div3A_38, %sub3A_58 : i32
      %select_n3A_60 = arith.select %and3A_57, %sub3A_59, %div3A_38 : i32
      %rem3A_61 = arith.constant 3 : i32
      %rem3A_62 = arith.remsi %select_n3A, %rem3A_61 : i32
      %mul3A_63 = arith.constant 85 : i32
      %mul3A_64 = arith.muli %rem3A_62, %mul3A_63 : i32
      %add3A_65 = arith.constant 5 : i32
      %add3A_66 = arith.addi %mul3A_64, %add3A_65 : i32
      %mul3A_67 = arith.constant 8 : i32
      %mul3A_68 = arith.muli %rem3A_36, %mul3A_67 : i32
      %dma_start3A = arith.constant 0 : i32
      %dma_start3A_69 = tpu.memref_slice %arg2[%select_n3A_60, %add3A_66, %mul3A_68, %dma_start3A] : memref<8x255x64x64xf32, #tpu.memory_space<hbm>> -> memref<1x80x8x64xf32, #tpu.memory_space<hbm>>
      %dma_start3A_70 = tpu.memref_squeeze %dma_start3A_69 : memref<1x80x8x64xf32, #tpu.memory_space<hbm>> -> memref<80x8x64xf32, #tpu.memory_space<hbm>>
      %dma_start3A_71 = arith.constant 0 : i32
      %dma_start3A_72 = tpu.memref_slice %arg2[%select_n3A_60, %add3A_66, %mul3A_68, %dma_start3A_71] : memref<8x255x64x64xf32, #tpu.memory_space<hbm>> -> memref<1x80x8x64xf32, #tpu.memory_space<hbm>>
      %dma_start3A_73 = tpu.memref_squeeze %dma_start3A_72 : memref<1x80x8x64xf32, #tpu.memory_space<hbm>> -> memref<80x8x64xf32, #tpu.memory_space<hbm>>
      tpu.enqueue_dma source(%dma_start3A_73 : memref<80x8x64xf32, #tpu.memory_space<hbm>>) target(%arg5 : memref<80x8x64xf32, #tpu.memory_space<vmem>>) target_semaphore(%arg8 : memref<!tpu.dma_semaphore, #tpu.memory_space<semaphore_mem>>)
      %dma_wait3A = arith.constant 0 : i32
      %dma_wait3A_74 = tpu.memref_slice %arg2[%select_n3A_60, %add3A_66, %mul3A_68, %dma_wait3A] : memref<8x255x64x64xf32, #tpu.memory_space<hbm>> -> memref<1x80x8x64xf32, #tpu.memory_space<hbm>>
      %dma_wait3A_75 = tpu.memref_squeeze %dma_wait3A_74 : memref<1x80x8x64xf32, #tpu.memory_space<hbm>> -> memref<80x8x64xf32, #tpu.memory_space<hbm>>
      %dma_wait3A_76 = arith.constant 0 : i32
      %dma_wait3A_77 = tpu.memref_slice %arg2[%select_n3A_60, %add3A_66, %mul3A_68, %dma_wait3A_76] : memref<8x255x64x64xf32, #tpu.memory_space<hbm>> -> memref<1x80x8x64xf32, #tpu.memory_space<hbm>>
      %dma_wait3A_78 = tpu.memref_squeeze %dma_wait3A_77 : memref<1x80x8x64xf32, #tpu.memory_space<hbm>> -> memref<80x8x64xf32, #tpu.memory_space<hbm>>
      tpu.wait_dma2 semaphore(%arg8 : memref<!tpu.dma_semaphore, #tpu.memory_space<semaphore_mem>>) src(%dma_wait3A_78 : memref<80x8x64xf32, #tpu.memory_space<hbm>>) dst(%arg5 : memref<80x8x64xf32, #tpu.memory_space<vmem>>)
      %scan3A = arith.constant 0 : i32
      %scan3A_79 = arith.constant 0 : i32
      %scan3A_80 = arith.constant 8 : i32
      %scan3A_81 = arith.addi %scan3A_79, %scan3A_80 : i32
      %scan3A_82 = arith.constant 1 : i32
      %scan3A_83 = scf.for %scan3A_86 = %scan3A_79 to %scan3A_81 step %scan3A_82 iter_args(%scan3A_87 = %scan3A) -> (i32)  : i32 {
        %broadcast_in_dim3A = arith.constant 0xFF800000 : f32
        %broadcast_in_dim3A_88 = vector.broadcast %broadcast_in_dim3A : f32 to vector<16xf32>
        %broadcast_in_dim3A_89 = arith.constant 0.000000e+00 : f32
        %broadcast_in_dim3A_90 = vector.broadcast %broadcast_in_dim3A_89 : f32 to vector<16xf32>
        %broadcast_in_dim3A_91 = arith.constant 0 : i32
        %broadcast_in_dim3A_92 = vector.broadcast %broadcast_in_dim3A_91 : i32 to vector<16xi32>
        %scan3A_93 = arith.constant 0 : i32
        %scan3A_94 = arith.constant 20 : i32
        %scan3A_95 = arith.addi %scan3A_93, %scan3A_94 : i32
        %scan3A_96 = arith.constant 1 : i32
        %scan3A_97:12 = scf.for %scan3A_170 = %scan3A_93 to %scan3A_95 step %scan3A_96 iter_args(%scan3A_171 = %broadcast_in_dim3A_88, %scan3A_172 = %broadcast_in_dim3A_88, %scan3A_173 = %broadcast_in_dim3A_88, %scan3A_174 = %broadcast_in_dim3A_88, %scan3A_175 = %broadcast_in_dim3A_92, %scan3A_176 = %broadcast_in_dim3A_92, %scan3A_177 = %broadcast_in_dim3A_92, %scan3A_178 = %broadcast_in_dim3A_92, %scan3A_179 = %broadcast_in_dim3A_90, %scan3A_180 = %broadcast_in_dim3A_90, %scan3A_181 = %broadcast_in_dim3A_90, %scan3A_182 = %broadcast_in_dim3A_90) -> (vector<16xf32>, vector<16xf32>, vector<16xf32>, vector<16xf32>, vector<16xi32>, vector<16xi32>, vector<16xi32>, vector<16xi32>, vector<16xf32>, vector<16xf32>, vector<16xf32>, vector<16xf32>)  : i32 {
          %mul3A_183 = arith.constant 4 : i32
          %mul3A_184 = arith.muli %scan3A_170, %mul3A_183 : i32
          %add3A_185 = arith.constant 0 : i32
          %add3A_186 = arith.addi %mul3A_184, %add3A_185 : i32
          %get3A = arith.index_cast %add3A_186 : i32 to index
          %get3A_187 = arith.index_cast %scan3A_86 : i32 to index
          %get3A_188 = arith.constant 0 : index
          %get3A_189 = tpu.vector_load %arg5[%get3A, %get3A_187, %get3A_188] {strides = array<i32>} : memref<80x8x64xf32, #tpu.memory_space<vmem>>, vector<1x1x16xf32>,
          %get3A_190 = vector.shape_cast %get3A_189 : vector<1x1x16xf32> to vector<16xf32>
          %gt3A = arith.cmpf ogt, %get3A_190, %scan3A_171 : vector<16xf32>
          %select_n3A_191 = arith.select %gt3A, %get3A_190, %scan3A_171 : vector<16xi1>, vector<16xf32>
          %broadcast_in_dim3A_192 = vector.broadcast %add3A_186 : i32 to vector<16xi32>
          %select_n3A_193 = arith.select %gt3A, %broadcast_in_dim3A_192, %scan3A_175 : vector<16xi1>, vector<16xi32>
          %exp3A_194 = math.exp %get3A_190 : vector<16xf32>
          %add3A_195 = arith.addf %scan3A_179, %exp3A_194 : vector<16xf32>
          %get3A_196 = arith.index_cast %add3A_186 : i32 to index
          %get3A_197 = arith.index_cast %scan3A_86 : i32 to index
          %get3A_198 = arith.constant 16 : index
          %get3A_199 = tpu.vector_load %arg5[%get3A_196, %get3A_197, %get3A_198] {strides = array<i32>} : memref<80x8x64xf32, #tpu.memory_space<vmem>>, vector<1x1x16xf32>,
          %get3A_200 = vector.shape_cast %get3A_199 : vector<1x1x16xf32> to vector<16xf32>
          %gt3A_201 = arith.cmpf ogt, %get3A_200, %scan3A_172 : vector<16xf32>
          %select_n3A_202 = arith.select %gt3A_201, %get3A_200, %scan3A_172 : vector<16xi1>, vector<16xf32>
          %broadcast_in_dim3A_203 = vector.broadcast %add3A_186 : i32 to vector<16xi32>
          %select_n3A_204 = arith.select %gt3A_201, %broadcast_in_dim3A_203, %scan3A_176 : vector<16xi1>, vector<16xi32>
          %exp3A_205 = math.exp %get3A_200 : vector<16xf32>
          %add3A_206 = arith.addf %scan3A_180, %exp3A_205 : vector<16xf32>
          %get3A_207 = arith.index_cast %add3A_186 : i32 to index
          %get3A_208 = arith.index_cast %scan3A_86 : i32 to index
          %get3A_209 = arith.constant 32 : index
          %get3A_210 = tpu.vector_load %arg5[%get3A_207, %get3A_208, %get3A_209] {strides = array<i32>} : memref<80x8x64xf32, #tpu.memory_space<vmem>>, vector<1x1x16xf32>,
          %get3A_211 = vector.shape_cast %get3A_210 : vector<1x1x16xf32> to vector<16xf32>
          %gt3A_212 = arith.cmpf ogt, %get3A_211, %scan3A_173 : vector<16xf32>
          %select_n3A_213 = arith.select %gt3A_212, %get3A_211, %scan3A_173 : vector<16xi1>, vector<16xf32>
          %broadcast_in_dim3A_214 = vector.broadcast %add3A_186 : i32 to vector<16xi32>
          %select_n3A_215 = arith.select %gt3A_212, %broadcast_in_dim3A_214, %scan3A_177 : vector<16xi1>, vector<16xi32>
          %exp3A_216 = math.exp %get3A_211 : vector<16xf32>
          %add3A_217 = arith.addf %scan3A_181, %exp3A_216 : vector<16xf32>
          %get3A_218 = arith.index_cast %add3A_186 : i32 to index
          %get3A_219 = arith.index_cast %scan3A_86 : i32 to index
          %get3A_220 = arith.constant 48 : index
          %get3A_221 = tpu.vector_load %arg5[%get3A_218, %get3A_219, %get3A_220] {strides = array<i32>} : memref<80x8x64xf32, #tpu.memory_space<vmem>>, vector<1x1x16xf32>,
          %get3A_222 = vector.shape_cast %get3A_221 : vector<1x1x16xf32> to vector<16xf32>
          %gt3A_223 = arith.cmpf ogt, %get3A_222, %scan3A_174 : vector<16xf32>
          %select_n3A_224 = arith.select %gt3A_223, %get3A_222, %scan3A_174 : vector<16xi1>, vector<16xf32>
          %broadcast_in_dim3A_225 = vector.broadcast %add3A_186 : i32 to vector<16xi32>
          %select_n3A_226 = arith.select %gt3A_223, %broadcast_in_dim3A_225, %scan3A_178 : vector<16xi1>, vector<16xi32>
          %exp3A_227 = math.exp %get3A_222 : vector<16xf32>
          %add3A_228 = arith.addf %scan3A_182, %exp3A_227 : vector<16xf32>
          %mul3A_229 = arith.constant 4 : i32
          %mul3A_230 = arith.muli %scan3A_170, %mul3A_229 : i32
          %add3A_231 = arith.constant 1 : i32
          %add3A_232 = arith.addi %mul3A_230, %add3A_231 : i32
          %get3A_233 = arith.index_cast %add3A_232 : i32 to index
          %get3A_234 = arith.index_cast %scan3A_86 : i32 to index
          %get3A_235 = arith.constant 0 : index
          %get3A_236 = tpu.vector_load %arg5[%get3A_233, %get3A_234, %get3A_235] {strides = array<i32>} : memref<80x8x64xf32, #tpu.memory_space<vmem>>, vector<1x1x16xf32>,
          %get3A_237 = vector.shape_cast %get3A_236 : vector<1x1x16xf32> to vector<16xf32>
          %gt3A_238 = arith.cmpf ogt, %get3A_237, %select_n3A_191 : vector<16xf32>
          %select_n3A_239 = arith.select %gt3A_238, %get3A_237, %select_n3A_191 : vector<16xi1>, vector<16xf32>
          %broadcast_in_dim3A_240 = vector.broadcast %add3A_232 : i32 to vector<16xi32>
          %select_n3A_241 = arith.select %gt3A_238, %broadcast_in_dim3A_240, %select_n3A_193 : vector<16xi1>, vector<16xi32>
          %exp3A_242 = math.exp %get3A_237 : vector<16xf32>
          %add3A_243 = arith.addf %add3A_195, %exp3A_242 : vector<16xf32>
          %get3A_244 = arith.index_cast %add3A_232 : i32 to index
          %get3A_245 = arith.index_cast %scan3A_86 : i32 to index
          %get3A_246 = arith.constant 16 : index
          %get3A_247 = tpu.vector_load %arg5[%get3A_244, %get3A_245, %get3A_246] {strides = array<i32>} : memref<80x8x64xf32, #tpu.memory_space<vmem>>, vector<1x1x16xf32>,
          %get3A_248 = vector.shape_cast %get3A_247 : vector<1x1x16xf32> to vector<16xf32>
          %gt3A_249 = arith.cmpf ogt, %get3A_248, %select_n3A_202 : vector<16xf32>
          %select_n3A_250 = arith.select %gt3A_249, %get3A_248, %select_n3A_202 : vector<16xi1>, vector<16xf32>
          %broadcast_in_dim3A_251 = vector.broadcast %add3A_232 : i32 to vector<16xi32>
          %select_n3A_252 = arith.select %gt3A_249, %broadcast_in_dim3A_251, %select_n3A_204 : vector<16xi1>, vector<16xi32>
          %exp3A_253 = math.exp %get3A_248 : vector<16xf32>
          %add3A_254 = arith.addf %add3A_206, %exp3A_253 : vector<16xf32>
          %get3A_255 = arith.index_cast %add3A_232 : i32 to index
          %get3A_256 = arith.index_cast %scan3A_86 : i32 to index
          %get3A_257 = arith.constant 32 : index
          %get3A_258 = tpu.vector_load %arg5[%get3A_255, %get3A_256, %get3A_257] {strides = array<i32>} : memref<80x8x64xf32, #tpu.memory_space<vmem>>, vector<1x1x16xf32>,
          %get3A_259 = vector.shape_cast %get3A_258 : vector<1x1x16xf32> to vector<16xf32>
          %gt3A_260 = arith.cmpf ogt, %get3A_259, %select_n3A_213 : vector<16xf32>
          %select_n3A_261 = arith.select %gt3A_260, %get3A_259, %select_n3A_213 : vector<16xi1>, vector<16xf32>
          %broadcast_in_dim3A_262 = vector.broadcast %add3A_232 : i32 to vector<16xi32>
          %select_n3A_263 = arith.select %gt3A_260, %broadcast_in_dim3A_262, %select_n3A_215 : vector<16xi1>, vector<16xi32>
          %exp3A_264 = math.exp %get3A_259 : vector<16xf32>
          %add3A_265 = arith.addf %add3A_217, %exp3A_264 : vector<16xf32>
          %get3A_266 = arith.index_cast %add3A_232 : i32 to index
          %get3A_267 = arith.index_cast %scan3A_86 : i32 to index
          %get3A_268 = arith.constant 48 : index
          %get3A_269 = tpu.vector_load %arg5[%get3A_266, %get3A_267, %get3A_268] {strides = array<i32>} : memref<80x8x64xf32, #tpu.memory_space<vmem>>, vector<1x1x16xf32>,
          %get3A_270 = vector.shape_cast %get3A_269 : vector<1x1x16xf32> to vector<16xf32>
          %gt3A_271 = arith.cmpf ogt, %get3A_270, %select_n3A_224 : vector<16xf32>
          %select_n3A_272 = arith.select %gt3A_271, %get3A_270, %select_n3A_224 : vector<16xi1>, vector<16xf32>
          %broadcast_in_dim3A_273 = vector.broadcast %add3A_232 : i32 to vector<16xi32>
          %select_n3A_274 = arith.select %gt3A_271, %broadcast_in_dim3A_273, %select_n3A_226 : vector<16xi1>, vector<16xi32>
          %exp3A_275 = math.exp %get3A_270 : vector<16xf32>
          %add3A_276 = arith.addf %add3A_228, %exp3A_275 : vector<16xf32>
          %mul3A_277 = arith.constant 4 : i32
          %mul3A_278 = arith.muli %scan3A_170, %mul3A_277 : i32
          %add3A_279 = arith.constant 2 : i32
          %add3A_280 = arith.addi %mul3A_278, %add3A_279 : i32
          %get3A_281 = arith.index_cast %add3A_280 : i32 to index
          %get3A_282 = arith.index_cast %scan3A_86 : i32 to index
          %get3A_283 = arith.constant 0 : index
          %get3A_284 = tpu.vector_load %arg5[%get3A_281, %get3A_282, %get3A_283] {strides = array<i32>} : memref<80x8x64xf32, #tpu.memory_space<vmem>>, vector<1x1x16xf32>,
          %get3A_285 = vector.shape_cast %get3A_284 : vector<1x1x16xf32> to vector<16xf32>
          %gt3A_286 = arith.cmpf ogt, %get3A_285, %select_n3A_239 : vector<16xf32>
          %select_n3A_287 = arith.select %gt3A_286, %get3A_285, %select_n3A_239 : vector<16xi1>, vector<16xf32>
          %broadcast_in_dim3A_288 = vector.broadcast %add3A_280 : i32 to vector<16xi32>
          %select_n3A_289 = arith.select %gt3A_286, %broadcast_in_dim3A_288, %select_n3A_241 : vector<16xi1>, vector<16xi32>
          %exp3A_290 = math.exp %get3A_285 : vector<16xf32>
          %add3A_291 = arith.addf %add3A_243, %exp3A_290 : vector<16xf32>
          %get3A_292 = arith.index_cast %add3A_280 : i32 to index
          %get3A_293 = arith.index_cast %scan3A_86 : i32 to index
          %get3A_294 = arith.constant 16 : index
          %get3A_295 = tpu.vector_load %arg5[%get3A_292, %get3A_293, %get3A_294] {strides = array<i32>} : memref<80x8x64xf32, #tpu.memory_space<vmem>>, vector<1x1x16xf32>,
          %get3A_296 = vector.shape_cast %get3A_295 : vector<1x1x16xf32> to vector<16xf32>
          %gt3A_297 = arith.cmpf ogt, %get3A_296, %select_n3A_250 : vector<16xf32>
          %select_n3A_298 = arith.select %gt3A_297, %get3A_296, %select_n3A_250 : vector<16xi1>, vector<16xf32>
          %broadcast_in_dim3A_299 = vector.broadcast %add3A_280 : i32 to vector<16xi32>
          %select_n3A_300 = arith.select %gt3A_297, %broadcast_in_dim3A_299, %select_n3A_252 : vector<16xi1>, vector<16xi32>
          %exp3A_301 = math.exp %get3A_296 : vector<16xf32>
          %add3A_302 = arith.addf %add3A_254, %exp3A_301 : vector<16xf32>
          %get3A_303 = arith.index_cast %add3A_280 : i32 to index
          %get3A_304 = arith.index_cast %scan3A_86 : i32 to index
          %get3A_305 = arith.constant 32 : index
          %get3A_306 = tpu.vector_load %arg5[%get3A_303, %get3A_304, %get3A_305] {strides = array<i32>} : memref<80x8x64xf32, #tpu.memory_space<vmem>>, vector<1x1x16xf32>,
          %get3A_307 = vector.shape_cast %get3A_306 : vector<1x1x16xf32> to vector<16xf32>
          %gt3A_308 = arith.cmpf ogt, %get3A_307, %select_n3A_261 : vector<16xf32>
          %select_n3A_309 = arith.select %gt3A_308, %get3A_307, %select_n3A_261 : vector<16xi1>, vector<16xf32>
          %broadcast_in_dim3A_310 = vector.broadcast %add3A_280 : i32 to vector<16xi32>
          %select_n3A_311 = arith.select %gt3A_308, %broadcast_in_dim3A_310, %select_n3A_263 : vector<16xi1>, vector<16xi32>
          %exp3A_312 = math.exp %get3A_307 : vector<16xf32>
          %add3A_313 = arith.addf %add3A_265, %exp3A_312 : vector<16xf32>
          %get3A_314 = arith.index_cast %add3A_280 : i32 to index
          %get3A_315 = arith.index_cast %scan3A_86 : i32 to index
          %get3A_316 = arith.constant 48 : index
          %get3A_317 = tpu.vector_load %arg5[%get3A_314, %get3A_315, %get3A_316] {strides = array<i32>} : memref<80x8x64xf32, #tpu.memory_space<vmem>>, vector<1x1x16xf32>,
          %get3A_318 = vector.shape_cast %get3A_317 : vector<1x1x16xf32> to vector<16xf32>
          %gt3A_319 = arith.cmpf ogt, %get3A_318, %select_n3A_272 : vector<16xf32>
          %select_n3A_320 = arith.select %gt3A_319, %get3A_318, %select_n3A_272 : vector<16xi1>, vector<16xf32>
          %broadcast_in_dim3A_321 = vector.broadcast %add3A_280 : i32 to vector<16xi32>
          %select_n3A_322 = arith.select %gt3A_319, %broadcast_in_dim3A_321, %select_n3A_274 : vector<16xi1>, vector<16xi32>
          %exp3A_323 = math.exp %get3A_318 : vector<16xf32>
          %add3A_324 = arith.addf %add3A_276, %exp3A_323 : vector<16xf32>
          %mul3A_325 = arith.constant 4 : i32
          %mul3A_326 = arith.muli %scan3A_170, %mul3A_325 : i32
          %add3A_327 = arith.constant 3 : i32
          %add3A_328 = arith.addi %mul3A_326, %add3A_327 : i32
          %get3A_329 = arith.index_cast %add3A_328 : i32 to index
          %get3A_330 = arith.index_cast %scan3A_86 : i32 to index
          %get3A_331 = arith.constant 0 : index
          %get3A_332 = tpu.vector_load %arg5[%get3A_329, %get3A_330, %get3A_331] {strides = array<i32>} : memref<80x8x64xf32, #tpu.memory_space<vmem>>, vector<1x1x16xf32>,
          %get3A_333 = vector.shape_cast %get3A_332 : vector<1x1x16xf32> to vector<16xf32>
          %gt3A_334 = arith.cmpf ogt, %get3A_333, %select_n3A_287 : vector<16xf32>
          %select_n3A_335 = arith.select %gt3A_334, %get3A_333, %select_n3A_287 : vector<16xi1>, vector<16xf32>
          %broadcast_in_dim3A_336 = vector.broadcast %add3A_328 : i32 to vector<16xi32>
          %select_n3A_337 = arith.select %gt3A_334, %broadcast_in_dim3A_336, %select_n3A_289 : vector<16xi1>, vector<16xi32>
          %exp3A_338 = math.exp %get3A_333 : vector<16xf32>
          %add3A_339 = arith.addf %add3A_291, %exp3A_338 : vector<16xf32>
          %get3A_340 = arith.index_cast %add3A_328 : i32 to index
          %get3A_341 = arith.index_cast %scan3A_86 : i32 to index
          %get3A_342 = arith.constant 16 : index
          %get3A_343 = tpu.vector_load %arg5[%get3A_340, %get3A_341, %get3A_342] {strides = array<i32>} : memref<80x8x64xf32, #tpu.memory_space<vmem>>, vector<1x1x16xf32>,
          %get3A_344 = vector.shape_cast %get3A_343 : vector<1x1x16xf32> to vector<16xf32>
          %gt3A_345 = arith.cmpf ogt, %get3A_344, %select_n3A_298 : vector<16xf32>
          %select_n3A_346 = arith.select %gt3A_345, %get3A_344, %select_n3A_298 : vector<16xi1>, vector<16xf32>
          %broadcast_in_dim3A_347 = vector.broadcast %add3A_328 : i32 to vector<16xi32>
          %select_n3A_348 = arith.select %gt3A_345, %broadcast_in_dim3A_347, %select_n3A_300 : vector<16xi1>, vector<16xi32>
          %exp3A_349 = math.exp %get3A_344 : vector<16xf32>
          %add3A_350 = arith.addf %add3A_302, %exp3A_349 : vector<16xf32>
          %get3A_351 = arith.index_cast %add3A_328 : i32 to index
          %get3A_352 = arith.index_cast %scan3A_86 : i32 to index
          %get3A_353 = arith.constant 32 : index
          %get3A_354 = tpu.vector_load %arg5[%get3A_351, %get3A_352, %get3A_353] {strides = array<i32>} : memref<80x8x64xf32, #tpu.memory_space<vmem>>, vector<1x1x16xf32>,
          %get3A_355 = vector.shape_cast %get3A_354 : vector<1x1x16xf32> to vector<16xf32>
          %gt3A_356 = arith.cmpf ogt, %get3A_355, %select_n3A_309 : vector<16xf32>
          %select_n3A_357 = arith.select %gt3A_356, %get3A_355, %select_n3A_309 : vector<16xi1>, vector<16xf32>
          %broadcast_in_dim3A_358 = vector.broadcast %add3A_328 : i32 to vector<16xi32>
          %select_n3A_359 = arith.select %gt3A_356, %broadcast_in_dim3A_358, %select_n3A_311 : vector<16xi1>, vector<16xi32>
          %exp3A_360 = math.exp %get3A_355 : vector<16xf32>
          %add3A_361 = arith.addf %add3A_313, %exp3A_360 : vector<16xf32>
          %get3A_362 = arith.index_cast %add3A_328 : i32 to index
          %get3A_363 = arith.index_cast %scan3A_86 : i32 to index
          %get3A_364 = arith.constant 48 : index
          %get3A_365 = tpu.vector_load %arg5[%get3A_362, %get3A_363, %get3A_364] {strides = array<i32>} : memref<80x8x64xf32, #tpu.memory_space<vmem>>, vector<1x1x16xf32>,
          %get3A_366 = vector.shape_cast %get3A_365 : vector<1x1x16xf32> to vector<16xf32>
          %gt3A_367 = arith.cmpf ogt, %get3A_366, %select_n3A_320 : vector<16xf32>
          %select_n3A_368 = arith.select %gt3A_367, %get3A_366, %select_n3A_320 : vector<16xi1>, vector<16xf32>
          %broadcast_in_dim3A_369 = vector.broadcast %add3A_328 : i32 to vector<16xi32>
          %select_n3A_370 = arith.select %gt3A_367, %broadcast_in_dim3A_369, %select_n3A_322 : vector<16xi1>, vector<16xi32>
          %exp3A_371 = math.exp %get3A_366 : vector<16xf32>
          %add3A_372 = arith.addf %add3A_324, %exp3A_371 : vector<16xf32>
          scf.yield %select_n3A_335, %select_n3A_346, %select_n3A_357, %select_n3A_368, %select_n3A_337, %select_n3A_348, %select_n3A_359, %select_n3A_370, %add3A_339, %add3A_350, %add3A_361, %add3A_372 : vector<16xf32>, vector<16xf32>, vector<16xf32>, vector<16xf32>, vector<16xi32>, vector<16xi32>, vector<16xi32>, vector<16xi32>, vector<16xf32>, vector<16xf32>, vector<16xf32>, vector<16xf32>
        }
        %scan3A_98 = arith.constant 20 : i32
        %exp3A = math.exp %scan3A_97#0 : vector<16xf32>
        %div3A_99 = arith.divf %exp3A, %scan3A_97#8 : vector<16xf32>
        %mul3A_100 = arith.constant 64 : i32
        %mul3A_101 = arith.muli %scan3A_86, %mul3A_100 : i32
        %add3A_102 = arith.constant 0 : i32
        %add3A_103 = arith.addi %mul3A_101, %add3A_102 : i32
        %swap3A = arith.index_cast %add3A_103 : i32 to index
        %swap3A_104 = tpu.vector_load %arg6[%swap3A] {strides = array<i32>} : memref<512xf32, #tpu.memory_space<vmem>>, vector<16xf32>,
        %swap3A_105 = vector.shape_cast %swap3A_104 : vector<16xf32> to vector<16xf32>
        %swap3A_106 = vector.shape_cast %div3A_99 : vector<16xf32> to vector<16xf32>
        tpu.vector_store %arg6[%swap3A], %swap3A_106 {strides = array<i32>} : memref<512xf32, #tpu.memory_space<vmem>>, vector<16xf32>,
        %mul3A_107 = arith.constant 64 : i32
        %mul3A_108 = arith.muli %scan3A_86, %mul3A_107 : i32
        %add3A_109 = arith.constant 0 : i32
        %add3A_110 = arith.addi %mul3A_108, %add3A_109 : i32
        %swap3A_111 = arith.index_cast %add3A_110 : i32 to index
        %swap3A_112 = tpu.vector_load %arg7[%swap3A_111] {strides = array<i32>} : memref<512xi32, #tpu.memory_space<vmem>>, vector<16xi32>,
        %swap3A_113 = vector.shape_cast %swap3A_112 : vector<16xi32> to vector<16xi32>
        %swap3A_114 = vector.shape_cast %scan3A_97#4 : vector<16xi32> to vector<16xi32>
        tpu.vector_store %arg7[%swap3A_111], %swap3A_114 {strides = array<i32>} : memref<512xi32, #tpu.memory_space<vmem>>, vector<16xi32>,
        %exp3A_115 = math.exp %scan3A_97#1 : vector<16xf32>
        %div3A_116 = arith.divf %exp3A_115, %scan3A_97#9 : vector<16xf32>
        %mul3A_117 = arith.constant 64 : i32
        %mul3A_118 = arith.muli %scan3A_86, %mul3A_117 : i32
        %add3A_119 = arith.constant 16 : i32
        %add3A_120 = arith.addi %mul3A_118, %add3A_119 : i32
        %swap3A_121 = arith.index_cast %add3A_120 : i32 to index
        %swap3A_122 = tpu.vector_load %arg6[%swap3A_121] {strides = array<i32>} : memref<512xf32, #tpu.memory_space<vmem>>, vector<16xf32>,
        %swap3A_123 = vector.shape_cast %swap3A_122 : vector<16xf32> to vector<16xf32>
        %swap3A_124 = vector.shape_cast %div3A_116 : vector<16xf32> to vector<16xf32>
        tpu.vector_store %arg6[%swap3A_121], %swap3A_124 {strides = array<i32>} : memref<512xf32, #tpu.memory_space<vmem>>, vector<16xf32>,
        %mul3A_125 = arith.constant 64 : i32
        %mul3A_126 = arith.muli %scan3A_86, %mul3A_125 : i32
        %add3A_127 = arith.constant 16 : i32
        %add3A_128 = arith.addi %mul3A_126, %add3A_127 : i32
        %swap3A_129 = arith.index_cast %add3A_128 : i32 to index
        %swap3A_130 = tpu.vector_load %arg7[%swap3A_129] {strides = array<i32>} : memref<512xi32, #tpu.memory_space<vmem>>, vector<16xi32>,
        %swap3A_131 = vector.shape_cast %swap3A_130 : vector<16xi32> to vector<16xi32>
        %swap3A_132 = vector.shape_cast %scan3A_97#5 : vector<16xi32> to vector<16xi32>
        tpu.vector_store %arg7[%swap3A_129], %swap3A_132 {strides = array<i32>} : memref<512xi32, #tpu.memory_space<vmem>>, vector<16xi32>,
        %exp3A_133 = math.exp %scan3A_97#2 : vector<16xf32>
        %div3A_134 = arith.divf %exp3A_133, %scan3A_97#10 : vector<16xf32>
        %mul3A_135 = arith.constant 64 : i32
        %mul3A_136 = arith.muli %scan3A_86, %mul3A_135 : i32
        %add3A_137 = arith.constant 32 : i32
        %add3A_138 = arith.addi %mul3A_136, %add3A_137 : i32
        %swap3A_139 = arith.index_cast %add3A_138 : i32 to index
        %swap3A_140 = tpu.vector_load %arg6[%swap3A_139] {strides = array<i32>} : memref<512xf32, #tpu.memory_space<vmem>>, vector<16xf32>,
        %swap3A_141 = vector.shape_cast %swap3A_140 : vector<16xf32> to vector<16xf32>
        %swap3A_142 = vector.shape_cast %div3A_134 : vector<16xf32> to vector<16xf32>
        tpu.vector_store %arg6[%swap3A_139], %swap3A_142 {strides = array<i32>} : memref<512xf32, #tpu.memory_space<vmem>>, vector<16xf32>,
        %mul3A_143 = arith.constant 64 : i32
        %mul3A_144 = arith.muli %scan3A_86, %mul3A_143 : i32
        %add3A_145 = arith.constant 32 : i32
        %add3A_146 = arith.addi %mul3A_144, %add3A_145 : i32
        %swap3A_147 = arith.index_cast %add3A_146 : i32 to index
        %swap3A_148 = tpu.vector_load %arg7[%swap3A_147] {strides = array<i32>} : memref<512xi32, #tpu.memory_space<vmem>>, vector<16xi32>,
        %swap3A_149 = vector.shape_cast %swap3A_148 : vector<16xi32> to vector<16xi32>
        %swap3A_150 = vector.shape_cast %scan3A_97#6 : vector<16xi32> to vector<16xi32>
        tpu.vector_store %arg7[%swap3A_147], %swap3A_150 {strides = array<i32>} : memref<512xi32, #tpu.memory_space<vmem>>, vector<16xi32>,
        %exp3A_151 = math.exp %scan3A_97#3 : vector<16xf32>
        %div3A_152 = arith.divf %exp3A_151, %scan3A_97#11 : vector<16xf32>
        %mul3A_153 = arith.constant 64 : i32
        %mul3A_154 = arith.muli %scan3A_86, %mul3A_153 : i32
        %add3A_155 = arith.constant 48 : i32
        %add3A_156 = arith.addi %mul3A_154, %add3A_155 : i32
        %swap3A_157 = arith.index_cast %add3A_156 : i32 to index
        %swap3A_158 = tpu.vector_load %arg6[%swap3A_157] {strides = array<i32>} : memref<512xf32, #tpu.memory_space<vmem>>, vector<16xf32>,
        %swap3A_159 = vector.shape_cast %swap3A_158 : vector<16xf32> to vector<16xf32>
        %swap3A_160 = vector.shape_cast %div3A_152 : vector<16xf32> to vector<16xf32>
        tpu.vector_store %arg6[%swap3A_157], %swap3A_160 {strides = array<i32>} : memref<512xf32, #tpu.memory_space<vmem>>, vector<16xf32>,
        %mul3A_161 = arith.constant 64 : i32
        %mul3A_162 = arith.muli %scan3A_86, %mul3A_161 : i32
        %add3A_163 = arith.constant 48 : i32
        %add3A_164 = arith.addi %mul3A_162, %add3A_163 : i32
        %swap3A_165 = arith.index_cast %add3A_164 : i32 to index
        %swap3A_166 = tpu.vector_load %arg7[%swap3A_165] {strides = array<i32>} : memref<512xi32, #tpu.memory_space<vmem>>, vector<16xi32>,
        %swap3A_167 = vector.shape_cast %swap3A_166 : vector<16xi32> to vector<16xi32>
        %swap3A_168 = vector.shape_cast %scan3A_97#7 : vector<16xi32> to vector<16xi32>
        tpu.vector_store %arg7[%swap3A_165], %swap3A_168 {strides = array<i32>} : memref<512xi32, #tpu.memory_space<vmem>>, vector<16xi32>,
        %scan3A_169 = arith.constant 0 : i32
        scf.yield %scan3A_169 : i32
      }
      %scan3A_84 = arith.constant 8 : i32
      "tpu.region"() ({
        %run_scoped3A = tpu.sem_alloc : memref<!tpu.dma_semaphore, #tpu.memory_space<semaphore_mem>>
        %dma_start3A_86 = arith.constant 0 : i32
        %dma_start3A_87 = tpu.memref_slice %arg3[%select_n3A, %rem3A_36, %dma_start3A_86] : memref<24x8x512xf32, #tpu.memory_space<hbm>> -> memref<1x1x512xf32, #tpu.memory_space<hbm>>
        %dma_start3A_88 = tpu.memref_squeeze %dma_start3A_87 : memref<1x1x512xf32, #tpu.memory_space<hbm>> -> memref<512xf32, #tpu.memory_space<hbm>>
        %dma_start3A_89 = arith.constant 0 : i32
        %dma_start3A_90 = tpu.memref_slice %arg3[%select_n3A, %rem3A_36, %dma_start3A_89] : memref<24x8x512xf32, #tpu.memory_space<hbm>> -> memref<1x1x512xf32, #tpu.memory_space<hbm>>
        %dma_start3A_91 = tpu.memref_squeeze %dma_start3A_90 : memref<1x1x512xf32, #tpu.memory_space<hbm>> -> memref<512xf32, #tpu.memory_space<hbm>>
        tpu.enqueue_dma source(%arg6 : memref<512xf32, #tpu.memory_space<vmem>>) target(%dma_start3A_91 : memref<512xf32, #tpu.memory_space<hbm>>) target_semaphore(%run_scoped3A : memref<!tpu.dma_semaphore, #tpu.memory_space<semaphore_mem>>)
        %dma_wait3A_92 = arith.constant 0 : i32
        %dma_wait3A_93 = tpu.memref_slice %arg3[%select_n3A, %rem3A_36, %dma_wait3A_92] : memref<24x8x512xf32, #tpu.memory_space<hbm>> -> memref<1x1x512xf32, #tpu.memory_space<hbm>>
        %dma_wait3A_94 = tpu.memref_squeeze %dma_wait3A_93 : memref<1x1x512xf32, #tpu.memory_space<hbm>> -> memref<512xf32, #tpu.memory_space<hbm>>
        %dma_wait3A_95 = arith.constant 0 : i32
        %dma_wait3A_96 = tpu.memref_slice %arg3[%select_n3A, %rem3A_36, %dma_wait3A_95] : memref<24x8x512xf32, #tpu.memory_space<hbm>> -> memref<1x1x512xf32, #tpu.memory_space<hbm>>
        %dma_wait3A_97 = tpu.memref_squeeze %dma_wait3A_96 : memref<1x1x512xf32, #tpu.memory_space<hbm>> -> memref<512xf32, #tpu.memory_space<hbm>>
        tpu.wait_dma2 semaphore(%run_scoped3A : memref<!tpu.dma_semaphore, #tpu.memory_space<semaphore_mem>>) src(%arg6 : memref<512xf32, #tpu.memory_space<vmem>>) dst(%dma_wait3A_97 : memref<512xf32, #tpu.memory_space<hbm>>)
        tpu.yield
      }) : () -> ()
      "tpu.region"() ({
        %run_scoped3A = tpu.sem_alloc : memref<!tpu.dma_semaphore, #tpu.memory_space<semaphore_mem>>
        %dma_start3A_86 = arith.constant 0 : i32
        %dma_start3A_87 = tpu.memref_slice %arg4[%select_n3A, %rem3A_36, %dma_start3A_86] : memref<24x8x512xi32, #tpu.memory_space<hbm>> -> memref<1x1x512xi32, #tpu.memory_space<hbm>>
        %dma_start3A_88 = tpu.memref_squeeze %dma_start3A_87 : memref<1x1x512xi32, #tpu.memory_space<hbm>> -> memref<512xi32, #tpu.memory_space<hbm>>
        %dma_start3A_89 = arith.constant 0 : i32
        %dma_start3A_90 = tpu.memref_slice %arg4[%select_n3A, %rem3A_36, %dma_start3A_89] : memref<24x8x512xi32, #tpu.memory_space<hbm>> -> memref<1x1x512xi32, #tpu.memory_space<hbm>>
        %dma_start3A_91 = tpu.memref_squeeze %dma_start3A_90 : memref<1x1x512xi32, #tpu.memory_space<hbm>> -> memref<512xi32, #tpu.memory_space<hbm>>
        tpu.enqueue_dma source(%arg7 : memref<512xi32, #tpu.memory_space<vmem>>) target(%dma_start3A_91 : memref<512xi32, #tpu.memory_space<hbm>>) target_semaphore(%run_scoped3A : memref<!tpu.dma_semaphore, #tpu.memory_space<semaphore_mem>>)
        %dma_wait3A_92 = arith.constant 0 : i32
        %dma_wait3A_93 = tpu.memref_slice %arg4[%select_n3A, %rem3A_36, %dma_wait3A_92] : memref<24x8x512xi32, #tpu.memory_space<hbm>> -> memref<1x1x512xi32, #tpu.memory_space<hbm>>
        %dma_wait3A_94 = tpu.memref_squeeze %dma_wait3A_93 : memref<1x1x512xi32, #tpu.memory_space<hbm>> -> memref<512xi32, #tpu.memory_space<hbm>>
        %dma_wait3A_95 = arith.constant 0 : i32
        %dma_wait3A_96 = tpu.memref_slice %arg4[%select_n3A, %rem3A_36, %dma_wait3A_95] : memref<24x8x512xi32, #tpu.memory_space<hbm>> -> memref<1x1x512xi32, #tpu.memory_space<hbm>>
        %dma_wait3A_97 = tpu.memref_squeeze %dma_wait3A_96 : memref<1x1x512xi32, #tpu.memory_space<hbm>> -> memref<512xi32, #tpu.memory_space<hbm>>
        tpu.wait_dma2 semaphore(%run_scoped3A : memref<!tpu.dma_semaphore, #tpu.memory_space<semaphore_mem>>) src(%arg7 : memref<512xi32, #tpu.memory_space<vmem>>) dst(%dma_wait3A_97 : memref<512xi32, #tpu.memory_space<hbm>>)
        tpu.yield
      }) : () -> ()
      %while3A_85 = arith.constant 0 : i32
      scf.yield %while3A_85 : i32
    }
    %while3A_15 = arith.constant 1 : i32
    %while3A_16 = scf.for %while3A_17 = %while3A_12 to %while3A_8 step %while3A_15 iter_args(%while3A_18 = %while3A_14) -> (i32)  : i32 {
      %jit3A = arith.constant 8 : i32
      %div3A = arith.divsi %while3A_17, %jit3A : i32
      %sign3A = arith.constant 0 : i32
      %sign3A_19 = arith.cmpi sgt, %while3A_17, %sign3A : i32
      %sign3A_20 = arith.extui %sign3A_19 : i1 to i32
      %sign3A_21 = arith.constant 0 : i32
      %sign3A_22 = arith.cmpi slt, %while3A_17, %sign3A_21 : i32
      %sign3A_23 = arith.extui %sign3A_22 : i1 to i32
      %sign3A_24 = arith.subi %sign3A_20, %sign3A_23 : i32
      %sign3A_25 = arith.constant 0 : i32
      %sign3A_26 = arith.cmpi sgt, %jit3A, %sign3A_25 : i32
      %sign3A_27 = arith.extui %sign3A_26 : i1 to i32
      %sign3A_28 = arith.constant 0 : i32
      %sign3A_29 = arith.cmpi slt, %jit3A, %sign3A_28 : i32
      %sign3A_30 = arith.extui %sign3A_29 : i1 to i32
      %sign3A_31 = arith.subi %sign3A_27, %sign3A_30 : i32
      %ne3A = arith.cmpi ne, %sign3A_24, %sign3A_31 : i32
      %rem3A = arith.remsi %while3A_17, %jit3A : i32
      %ne3A_32 = arith.constant 0 : i32
      %ne3A_33 = arith.cmpi ne, %rem3A, %ne3A_32 : i32
      %and3A = arith.andi %ne3A, %ne3A_33 : i1
      %sub3A = arith.constant 1 : i32
      %sub3A_34 = arith.subi %div3A, %sub3A : i32
      %select_n3A = arith.select %and3A, %sub3A_34, %div3A : i32
      %rem3A_35 = arith.constant 8 : i32
      %rem3A_36 = arith.remsi %while3A_17, %rem3A_35 : i32
      %jit3A_37 = arith.constant 3 : i32
      %div3A_38 = arith.divsi %select_n3A, %jit3A_37 : i32
      %sign3A_39 = arith.constant 0 : i32
      %sign3A_40 = arith.cmpi sgt, %select_n3A, %sign3A_39 : i32
      %sign3A_41 = arith.extui %sign3A_40 : i1 to i32
      %sign3A_42 = arith.constant 0 : i32
      %sign3A_43 = arith.cmpi slt, %select_n3A, %sign3A_42 : i32
      %sign3A_44 = arith.extui %sign3A_43 : i1 to i32
      %sign3A_45 = arith.subi %sign3A_41, %sign3A_44 : i32
      %sign3A_46 = arith.constant 0 : i32
      %sign3A_47 = arith.cmpi sgt, %jit3A_37, %sign3A_46 : i32
      %sign3A_48 = arith.extui %sign3A_47 : i1 to i32
      %sign3A_49 = arith.constant 0 : i32
      %sign3A_50 = arith.cmpi slt, %jit3A_37, %sign3A_49 : i32
      %sign3A_51 = arith.extui %sign3A_50 : i1 to i32
      %sign3A_52 = arith.subi %sign3A_48, %sign3A_51 : i32
      %ne3A_53 = arith.cmpi ne, %sign3A_45, %sign3A_52 : i32
      %rem3A_54 = arith.remsi %select_n3A, %jit3A_37 : i32
      %ne3A_55 = arith.constant 0 : i32
      %ne3A_56 = arith.cmpi ne, %rem3A_54, %ne3A_55 : i32
      %and3A_57 = arith.andi %ne3A_53, %ne3A_56 : i1
      %sub3A_58 = arith.constant 1 : i32
      %sub3A_59 = arith.subi %div3A_38, %sub3A_58 : i32
      %select_n3A_60 = arith.select %and3A_57, %sub3A_59, %div3A_38 : i32
      %rem3A_61 = arith.constant 3 : i32
      %rem3A_62 = arith.remsi %select_n3A, %rem3A_61 : i32
      %mul3A_63 = arith.constant 85 : i32
      %mul3A_64 = arith.muli %rem3A_62, %mul3A_63 : i32
      %add3A_65 = arith.constant 5 : i32
      %add3A_66 = arith.addi %mul3A_64, %add3A_65 : i32
      %mul3A_67 = arith.constant 8 : i32
      %mul3A_68 = arith.muli %rem3A_36, %mul3A_67 : i32
      %dma_start3A = arith.constant 0 : i32
      %dma_start3A_69 = tpu.memref_slice %arg2[%select_n3A_60, %add3A_66, %mul3A_68, %dma_start3A] : memref<8x255x64x64xf32, #tpu.memory_space<hbm>> -> memref<1x80x8x64xf32, #tpu.memory_space<hbm>>
      %dma_start3A_70 = tpu.memref_squeeze %dma_start3A_69 : memref<1x80x8x64xf32, #tpu.memory_space<hbm>> -> memref<80x8x64xf32, #tpu.memory_space<hbm>>
      %dma_start3A_71 = arith.constant 0 : i32
      %dma_start3A_72 = tpu.memref_slice %arg2[%select_n3A_60, %add3A_66, %mul3A_68, %dma_start3A_71] : memref<8x255x64x64xf32, #tpu.memory_space<hbm>> -> memref<1x80x8x64xf32, #tpu.memory_space<hbm>>
      %dma_start3A_73 = tpu.memref_squeeze %dma_start3A_72 : memref<1x80x8x64xf32, #tpu.memory_space<hbm>> -> memref<80x8x64xf32, #tpu.memory_space<hbm>>
      tpu.enqueue_dma source(%dma_start3A_73 : memref<80x8x64xf32, #tpu.memory_space<hbm>>) target(%arg5 : memref<80x8x64xf32, #tpu.memory_space<vmem>>) target_semaphore(%arg8 : memref<!tpu.dma_semaphore, #tpu.memory_space<semaphore_mem>>)
      %dma_wait3A = arith.constant 0 : i32
      %dma_wait3A_74 = tpu.memref_slice %arg2[%select_n3A_60, %add3A_66, %mul3A_68, %dma_wait3A] : memref<8x255x64x64xf32, #tpu.memory_space<hbm>> -> memref<1x80x8x64xf32, #tpu.memory_space<hbm>>
      %dma_wait3A_75 = tpu.memref_squeeze %dma_wait3A_74 : memref<1x80x8x64xf32, #tpu.memory_space<hbm>> -> memref<80x8x64xf32, #tpu.memory_space<hbm>>
      %dma_wait3A_76 = arith.constant 0 : i32
      %dma_wait3A_77 = tpu.memref_slice %arg2[%select_n3A_60, %add3A_66, %mul3A_68, %dma_wait3A_76] : memref<8x255x64x64xf32, #tpu.memory_space<hbm>> -> memref<1x80x8x64xf32, #tpu.memory_space<hbm>>
      %dma_wait3A_78 = tpu.memref_squeeze %dma_wait3A_77 : memref<1x80x8x64xf32, #tpu.memory_space<hbm>> -> memref<80x8x64xf32, #tpu.memory_space<hbm>>
      tpu.wait_dma2 semaphore(%arg8 : memref<!tpu.dma_semaphore, #tpu.memory_space<semaphore_mem>>) src(%dma_wait3A_78 : memref<80x8x64xf32, #tpu.memory_space<hbm>>) dst(%arg5 : memref<80x8x64xf32, #tpu.memory_space<vmem>>)
      %scan3A = arith.constant 0 : i32
      %scan3A_79 = arith.constant 0 : i32
      %scan3A_80 = arith.constant 8 : i32
      %scan3A_81 = arith.addi %scan3A_79, %scan3A_80 : i32
      %scan3A_82 = arith.constant 1 : i32
      %scan3A_83 = scf.for %scan3A_86 = %scan3A_79 to %scan3A_81 step %scan3A_82 iter_args(%scan3A_87 = %scan3A) -> (i32)  : i32 {
        %broadcast_in_dim3A = arith.constant 0xFF800000 : f32
        %broadcast_in_dim3A_88 = vector.broadcast %broadcast_in_dim3A : f32 to vector<16xf32>
        %broadcast_in_dim3A_89 = arith.constant 0.000000e+00 : f32
        %broadcast_in_dim3A_90 = vector.broadcast %broadcast_in_dim3A_89 : f32 to vector<16xf32>
        %broadcast_in_dim3A_91 = arith.constant 0 : i32
        %broadcast_in_dim3A_92 = vector.broadcast %broadcast_in_dim3A_91 : i32 to vector<16xi32>
        %scan3A_93 = arith.constant 0 : i32
        %scan3A_94 = arith.constant 20 : i32
        %scan3A_95 = arith.addi %scan3A_93, %scan3A_94 : i32
        %scan3A_96 = arith.constant 1 : i32
        %scan3A_97:12 = scf.for %scan3A_170 = %scan3A_93 to %scan3A_95 step %scan3A_96 iter_args(%scan3A_171 = %broadcast_in_dim3A_88, %scan3A_172 = %broadcast_in_dim3A_88, %scan3A_173 = %broadcast_in_dim3A_88, %scan3A_174 = %broadcast_in_dim3A_88, %scan3A_175 = %broadcast_in_dim3A_92, %scan3A_176 = %broadcast_in_dim3A_92, %scan3A_177 = %broadcast_in_dim3A_92, %scan3A_178 = %broadcast_in_dim3A_92, %scan3A_179 = %broadcast_in_dim3A_90, %scan3A_180 = %broadcast_in_dim3A_90, %scan3A_181 = %broadcast_in_dim3A_90, %scan3A_182 = %broadcast_in_dim3A_90) -> (vector<16xf32>, vector<16xf32>, vector<16xf32>, vector<16xf32>, vector<16xi32>, vector<16xi32>, vector<16xi32>, vector<16xi32>, vector<16xf32>, vector<16xf32>, vector<16xf32>, vector<16xf32>)  : i32 {
          %mul3A_183 = arith.constant 4 : i32
          %mul3A_184 = arith.muli %scan3A_170, %mul3A_183 : i32
          %add3A_185 = arith.constant 0 : i32
          %add3A_186 = arith.addi %mul3A_184, %add3A_185 : i32
          %get3A = arith.index_cast %add3A_186 : i32 to index
          %get3A_187 = arith.index_cast %scan3A_86 : i32 to index
          %get3A_188 = arith.constant 0 : index
          %get3A_189 = tpu.vector_load %arg5[%get3A, %get3A_187, %get3A_188] {strides = array<i32>} : memref<80x8x64xf32, #tpu.memory_space<vmem>>, vector<1x1x16xf32>,
          %get3A_190 = vector.shape_cast %get3A_189 : vector<1x1x16xf32> to vector<16xf32>
          %gt3A = arith.cmpf ogt, %get3A_190, %scan3A_171 : vector<16xf32>
          %select_n3A_191 = arith.select %gt3A, %get3A_190, %scan3A_171 : vector<16xi1>, vector<16xf32>
          %broadcast_in_dim3A_192 = vector.broadcast %add3A_186 : i32 to vector<16xi32>
          %select_n3A_193 = arith.select %gt3A, %broadcast_in_dim3A_192, %scan3A_175 : vector<16xi1>, vector<16xi32>
          %exp3A_194 = math.exp %get3A_190 : vector<16xf32>
          %add3A_195 = arith.addf %scan3A_179, %exp3A_194 : vector<16xf32>
          %get3A_196 = arith.index_cast %add3A_186 : i32 to index
          %get3A_197 = arith.index_cast %scan3A_86 : i32 to index
          %get3A_198 = arith.constant 16 : index
          %get3A_199 = tpu.vector_load %arg5[%get3A_196, %get3A_197, %get3A_198] {strides = array<i32>} : memref<80x8x64xf32, #tpu.memory_space<vmem>>, vector<1x1x16xf32>,
          %get3A_200 = vector.shape_cast %get3A_199 : vector<1x1x16xf32> to vector<16xf32>
          %gt3A_201 = arith.cmpf ogt, %get3A_200, %scan3A_172 : vector<16xf32>
          %select_n3A_202 = arith.select %gt3A_201, %get3A_200, %scan3A_172 : vector<16xi1>, vector<16xf32>
          %broadcast_in_dim3A_203 = vector.broadcast %add3A_186 : i32 to vector<16xi32>
          %select_n3A_204 = arith.select %gt3A_201, %broadcast_in_dim3A_203, %scan3A_176 : vector<16xi1>, vector<16xi32>
          %exp3A_205 = math.exp %get3A_200 : vector<16xf32>
          %add3A_206 = arith.addf %scan3A_180, %exp3A_205 : vector<16xf32>
          %get3A_207 = arith.index_cast %add3A_186 : i32 to index
          %get3A_208 = arith.index_cast %scan3A_86 : i32 to index
          %get3A_209 = arith.constant 32 : index
          %get3A_210 = tpu.vector_load %arg5[%get3A_207, %get3A_208, %get3A_209] {strides = array<i32>} : memref<80x8x64xf32, #tpu.memory_space<vmem>>, vector<1x1x16xf32>,
          %get3A_211 = vector.shape_cast %get3A_210 : vector<1x1x16xf32> to vector<16xf32>
          %gt3A_212 = arith.cmpf ogt, %get3A_211, %scan3A_173 : vector<16xf32>
          %select_n3A_213 = arith.select %gt3A_212, %get3A_211, %scan3A_173 : vector<16xi1>, vector<16xf32>
          %broadcast_in_dim3A_214 = vector.broadcast %add3A_186 : i32 to vector<16xi32>
          %select_n3A_215 = arith.select %gt3A_212, %broadcast_in_dim3A_214, %scan3A_177 : vector<16xi1>, vector<16xi32>
          %exp3A_216 = math.exp %get3A_211 : vector<16xf32>
          %add3A_217 = arith.addf %scan3A_181, %exp3A_216 : vector<16xf32>
          %get3A_218 = arith.index_cast %add3A_186 : i32 to index
          %get3A_219 = arith.index_cast %scan3A_86 : i32 to index
          %get3A_220 = arith.constant 48 : index
          %get3A_221 = tpu.vector_load %arg5[%get3A_218, %get3A_219, %get3A_220] {strides = array<i32>} : memref<80x8x64xf32, #tpu.memory_space<vmem>>, vector<1x1x16xf32>,
          %get3A_222 = vector.shape_cast %get3A_221 : vector<1x1x16xf32> to vector<16xf32>
          %gt3A_223 = arith.cmpf ogt, %get3A_222, %scan3A_174 : vector<16xf32>
          %select_n3A_224 = arith.select %gt3A_223, %get3A_222, %scan3A_174 : vector<16xi1>, vector<16xf32>
          %broadcast_in_dim3A_225 = vector.broadcast %add3A_186 : i32 to vector<16xi32>
          %select_n3A_226 = arith.select %gt3A_223, %broadcast_in_dim3A_225, %scan3A_178 : vector<16xi1>, vector<16xi32>
          %exp3A_227 = math.exp %get3A_222 : vector<16xf32>
          %add3A_228 = arith.addf %scan3A_182, %exp3A_227 : vector<16xf32>
          %mul3A_229 = arith.constant 4 : i32
          %mul3A_230 = arith.muli %scan3A_170, %mul3A_229 : i32
          %add3A_231 = arith.constant 1 : i32
          %add3A_232 = arith.addi %mul3A_230, %add3A_231 : i32
          %get3A_233 = arith.index_cast %add3A_232 : i32 to index
          %get3A_234 = arith.index_cast %scan3A_86 : i32 to index
          %get3A_235 = arith.constant 0 : index
          %get3A_236 = tpu.vector_load %arg5[%get3A_233, %get3A_234, %get3A_235] {strides = array<i32>} : memref<80x8x64xf32, #tpu.memory_space<vmem>>, vector<1x1x16xf32>,
          %get3A_237 = vector.shape_cast %get3A_236 : vector<1x1x16xf32> to vector<16xf32>
          %gt3A_238 = arith.cmpf ogt, %get3A_237, %select_n3A_191 : vector<16xf32>
          %select_n3A_239 = arith.select %gt3A_238, %get3A_237, %select_n3A_191 : vector<16xi1>, vector<16xf32>
          %broadcast_in_dim3A_240 = vector.broadcast %add3A_232 : i32 to vector<16xi32>
          %select_n3A_241 = arith.select %gt3A_238, %broadcast_in_dim3A_240, %select_n3A_193 : vector<16xi1>, vector<16xi32>
          %exp3A_242 = math.exp %get3A_237 : vector<16xf32>
          %add3A_243 = arith.addf %add3A_195, %exp3A_242 : vector<16xf32>
          %get3A_244 = arith.index_cast %add3A_232 : i32 to index
          %get3A_245 = arith.index_cast %scan3A_86 : i32 to index
          %get3A_246 = arith.constant 16 : index
          %get3A_247 = tpu.vector_load %arg5[%get3A_244, %get3A_245, %get3A_246] {strides = array<i32>} : memref<80x8x64xf32, #tpu.memory_space<vmem>>, vector<1x1x16xf32>,
          %get3A_248 = vector.shape_cast %get3A_247 : vector<1x1x16xf32> to vector<16xf32>
          %gt3A_249 = arith.cmpf ogt, %get3A_248, %select_n3A_202 : vector<16xf32>
          %select_n3A_250 = arith.select %gt3A_249, %get3A_248, %select_n3A_202 : vector<16xi1>, vector<16xf32>
          %broadcast_in_dim3A_251 = vector.broadcast %add3A_232 : i32 to vector<16xi32>
          %select_n3A_252 = arith.select %gt3A_249, %broadcast_in_dim3A_251, %select_n3A_204 : vector<16xi1>, vector<16xi32>
          %exp3A_253 = math.exp %get3A_248 : vector<16xf32>
          %add3A_254 = arith.addf %add3A_206, %exp3A_253 : vector<16xf32>
          %get3A_255 = arith.index_cast %add3A_232 : i32 to index
          %get3A_256 = arith.index_cast %scan3A_86 : i32 to index
          %get3A_257 = arith.constant 32 : index
          %get3A_258 = tpu.vector_load %arg5[%get3A_255, %get3A_256, %get3A_257] {strides = array<i32>} : memref<80x8x64xf32, #tpu.memory_space<vmem>>, vector<1x1x16xf32>,
          %get3A_259 = vector.shape_cast %get3A_258 : vector<1x1x16xf32> to vector<16xf32>
          %gt3A_260 = arith.cmpf ogt, %get3A_259, %select_n3A_213 : vector<16xf32>
          %select_n3A_261 = arith.select %gt3A_260, %get3A_259, %select_n3A_213 : vector<16xi1>, vector<16xf32>
          %broadcast_in_dim3A_262 = vector.broadcast %add3A_232 : i32 to vector<16xi32>
          %select_n3A_263 = arith.select %gt3A_260, %broadcast_in_dim3A_262, %select_n3A_215 : vector<16xi1>, vector<16xi32>
          %exp3A_264 = math.exp %get3A_259 : vector<16xf32>
          %add3A_265 = arith.addf %add3A_217, %exp3A_264 : vector<16xf32>
          %get3A_266 = arith.index_cast %add3A_232 : i32 to index
          %get3A_267 = arith.index_cast %scan3A_86 : i32 to index
          %get3A_268 = arith.constant 48 : index
          %get3A_269 = tpu.vector_load %arg5[%get3A_266, %get3A_267, %get3A_268] {strides = array<i32>} : memref<80x8x64xf32, #tpu.memory_space<vmem>>, vector<1x1x16xf32>,
          %get3A_270 = vector.shape_cast %get3A_269 : vector<1x1x16xf32> to vector<16xf32>
          %gt3A_271 = arith.cmpf ogt, %get3A_270, %select_n3A_224 : vector<16xf32>
          %select_n3A_272 = arith.select %gt3A_271, %get3A_270, %select_n3A_224 : vector<16xi1>, vector<16xf32>
          %broadcast_in_dim3A_273 = vector.broadcast %add3A_232 : i32 to vector<16xi32>
          %select_n3A_274 = arith.select %gt3A_271, %broadcast_in_dim3A_273, %select_n3A_226 : vector<16xi1>, vector<16xi32>
          %exp3A_275 = math.exp %get3A_270 : vector<16xf32>
          %add3A_276 = arith.addf %add3A_228, %exp3A_275 : vector<16xf32>
          %mul3A_277 = arith.constant 4 : i32
          %mul3A_278 = arith.muli %scan3A_170, %mul3A_277 : i32
          %add3A_279 = arith.constant 2 : i32
          %add3A_280 = arith.addi %mul3A_278, %add3A_279 : i32
          %get3A_281 = arith.index_cast %add3A_280 : i32 to index
          %get3A_282 = arith.index_cast %scan3A_86 : i32 to index
          %get3A_283 = arith.constant 0 : index
          %get3A_284 = tpu.vector_load %arg5[%get3A_281, %get3A_282, %get3A_283] {strides = array<i32>} : memref<80x8x64xf32, #tpu.memory_space<vmem>>, vector<1x1x16xf32>,
          %get3A_285 = vector.shape_cast %get3A_284 : vector<1x1x16xf32> to vector<16xf32>
          %gt3A_286 = arith.cmpf ogt, %get3A_285, %select_n3A_239 : vector<16xf32>
          %select_n3A_287 = arith.select %gt3A_286, %get3A_285, %select_n3A_239 : vector<16xi1>, vector<16xf32>
          %broadcast_in_dim3A_288 = vector.broadcast %add3A_280 : i32 to vector<16xi32>
          %select_n3A_289 = arith.select %gt3A_286, %broadcast_in_dim3A_288, %select_n3A_241 : vector<16xi1>, vector<16xi32>
          %exp3A_290 = math.exp %get3A_285 : vector<16xf32>
          %add3A_291 = arith.addf %add3A_243, %exp3A_290 : vector<16xf32>
          %get3A_292 = arith.index_cast %add3A_280 : i32 to index
          %get3A_293 = arith.index_cast %scan3A_86 : i32 to index
          %get3A_294 = arith.constant 16 : index
          %get3A_295 = tpu.vector_load %arg5[%get3A_292, %get3A_293, %get3A_294] {strides = array<i32>} : memref<80x8x64xf32, #tpu.memory_space<vmem>>, vector<1x1x16xf32>,
          %get3A_296 = vector.shape_cast %get3A_295 : vector<1x1x16xf32> to vector<16xf32>
          %gt3A_297 = arith.cmpf ogt, %get3A_296, %select_n3A_250 : vector<16xf32>
          %select_n3A_298 = arith.select %gt3A_297, %get3A_296, %select_n3A_250 : vector<16xi1>, vector<16xf32>
          %broadcast_in_dim3A_299 = vector.broadcast %add3A_280 : i32 to vector<16xi32>
          %select_n3A_300 = arith.select %gt3A_297, %broadcast_in_dim3A_299, %select_n3A_252 : vector<16xi1>, vector<16xi32>
          %exp3A_301 = math.exp %get3A_296 : vector<16xf32>
          %add3A_302 = arith.addf %add3A_254, %exp3A_301 : vector<16xf32>
          %get3A_303 = arith.index_cast %add3A_280 : i32 to index
          %get3A_304 = arith.index_cast %scan3A_86 : i32 to index
          %get3A_305 = arith.constant 32 : index
          %get3A_306 = tpu.vector_load %arg5[%get3A_303, %get3A_304, %get3A_305] {strides = array<i32>} : memref<80x8x64xf32, #tpu.memory_space<vmem>>, vector<1x1x16xf32>,
          %get3A_307 = vector.shape_cast %get3A_306 : vector<1x1x16xf32> to vector<16xf32>
          %gt3A_308 = arith.cmpf ogt, %get3A_307, %select_n3A_261 : vector<16xf32>
          %select_n3A_309 = arith.select %gt3A_308, %get3A_307, %select_n3A_261 : vector<16xi1>, vector<16xf32>
          %broadcast_in_dim3A_310 = vector.broadcast %add3A_280 : i32 to vector<16xi32>
          %select_n3A_311 = arith.select %gt3A_308, %broadcast_in_dim3A_310, %select_n3A_263 : vector<16xi1>, vector<16xi32>
          %exp3A_312 = math.exp %get3A_307 : vector<16xf32>
          %add3A_313 = arith.addf %add3A_265, %exp3A_312 : vector<16xf32>
          %get3A_314 = arith.index_cast %add3A_280 : i32 to index
          %get3A_315 = arith.index_cast %scan3A_86 : i32 to index
          %get3A_316 = arith.constant 48 : index
          %get3A_317 = tpu.vector_load %arg5[%get3A_314, %get3A_315, %get3A_316] {strides = array<i32>} : memref<80x8x64xf32, #tpu.memory_space<vmem>>, vector<1x1x16xf32>,
          %get3A_318 = vector.shape_cast %get3A_317 : vector<1x1x16xf32> to vector<16xf32>
          %gt3A_319 = arith.cmpf ogt, %get3A_318, %select_n3A_272 : vector<16xf32>
          %select_n3A_320 = arith.select %gt3A_319, %get3A_318, %select_n3A_272 : vector<16xi1>, vector<16xf32>
          %broadcast_in_dim3A_321 = vector.broadcast %add3A_280 : i32 to vector<16xi32>
          %select_n3A_322 = arith.select %gt3A_319, %broadcast_in_dim3A_321, %select_n3A_274 : vector<16xi1>, vector<16xi32>
          %exp3A_323 = math.exp %get3A_318 : vector<16xf32>
          %add3A_324 = arith.addf %add3A_276, %exp3A_323 : vector<16xf32>
          %mul3A_325 = arith.constant 4 : i32
          %mul3A_326 = arith.muli %scan3A_170, %mul3A_325 : i32
          %add3A_327 = arith.constant 3 : i32
          %add3A_328 = arith.addi %mul3A_326, %add3A_327 : i32
          %get3A_329 = arith.index_cast %add3A_328 : i32 to index
          %get3A_330 = arith.index_cast %scan3A_86 : i32 to index
          %get3A_331 = arith.constant 0 : index
          %get3A_332 = tpu.vector_load %arg5[%get3A_329, %get3A_330, %get3A_331] {strides = array<i32>} : memref<80x8x64xf32, #tpu.memory_space<vmem>>, vector<1x1x16xf32>,
          %get3A_333 = vector.shape_cast %get3A_332 : vector<1x1x16xf32> to vector<16xf32>
          %gt3A_334 = arith.cmpf ogt, %get3A_333, %select_n3A_287 : vector<16xf32>
          %select_n3A_335 = arith.select %gt3A_334, %get3A_333, %select_n3A_287 : vector<16xi1>, vector<16xf32>
          %broadcast_in_dim3A_336 = vector.broadcast %add3A_328 : i32 to vector<16xi32>
          %select_n3A_337 = arith.select %gt3A_334, %broadcast_in_dim3A_336, %select_n3A_289 : vector<16xi1>, vector<16xi32>
          %exp3A_338 = math.exp %get3A_333 : vector<16xf32>
          %add3A_339 = arith.addf %add3A_291, %exp3A_338 : vector<16xf32>
          %get3A_340 = arith.index_cast %add3A_328 : i32 to index
          %get3A_341 = arith.index_cast %scan3A_86 : i32 to index
          %get3A_342 = arith.constant 16 : index
          %get3A_343 = tpu.vector_load %arg5[%get3A_340, %get3A_341, %get3A_342] {strides = array<i32>} : memref<80x8x64xf32, #tpu.memory_space<vmem>>, vector<1x1x16xf32>,
          %get3A_344 = vector.shape_cast %get3A_343 : vector<1x1x16xf32> to vector<16xf32>
          %gt3A_345 = arith.cmpf ogt, %get3A_344, %select_n3A_298 : vector<16xf32>
          %select_n3A_346 = arith.select %gt3A_345, %get3A_344, %select_n3A_298 : vector<16xi1>, vector<16xf32>
          %broadcast_in_dim3A_347 = vector.broadcast %add3A_328 : i32 to vector<16xi32>
          %select_n3A_348 = arith.select %gt3A_345, %broadcast_in_dim3A_347, %select_n3A_300 : vector<16xi1>, vector<16xi32>
          %exp3A_349 = math.exp %get3A_344 : vector<16xf32>
          %add3A_350 = arith.addf %add3A_302, %exp3A_349 : vector<16xf32>
          %get3A_351 = arith.index_cast %add3A_328 : i32 to index
          %get3A_352 = arith.index_cast %scan3A_86 : i32 to index
          %get3A_353 = arith.constant 32 : index
          %get3A_354 = tpu.vector_load %arg5[%get3A_351, %get3A_352, %get3A_353] {strides = array<i32>} : memref<80x8x64xf32, #tpu.memory_space<vmem>>, vector<1x1x16xf32>,
          %get3A_355 = vector.shape_cast %get3A_354 : vector<1x1x16xf32> to vector<16xf32>
          %gt3A_356 = arith.cmpf ogt, %get3A_355, %select_n3A_309 : vector<16xf32>
          %select_n3A_357 = arith.select %gt3A_356, %get3A_355, %select_n3A_309 : vector<16xi1>, vector<16xf32>
          %broadcast_in_dim3A_358 = vector.broadcast %add3A_328 : i32 to vector<16xi32>
          %select_n3A_359 = arith.select %gt3A_356, %broadcast_in_dim3A_358, %select_n3A_311 : vector<16xi1>, vector<16xi32>
          %exp3A_360 = math.exp %get3A_355 : vector<16xf32>
          %add3A_361 = arith.addf %add3A_313, %exp3A_360 : vector<16xf32>
          %get3A_362 = arith.index_cast %add3A_328 : i32 to index
          %get3A_363 = arith.index_cast %scan3A_86 : i32 to index
          %get3A_364 = arith.constant 48 : index
          %get3A_365 = tpu.vector_load %arg5[%get3A_362, %get3A_363, %get3A_364] {strides = array<i32>} : memref<80x8x64xf32, #tpu.memory_space<vmem>>, vector<1x1x16xf32>,
          %get3A_366 = vector.shape_cast %get3A_365 : vector<1x1x16xf32> to vector<16xf32>
          %gt3A_367 = arith.cmpf ogt, %get3A_366, %select_n3A_320 : vector<16xf32>
          %select_n3A_368 = arith.select %gt3A_367, %get3A_366, %select_n3A_320 : vector<16xi1>, vector<16xf32>
          %broadcast_in_dim3A_369 = vector.broadcast %add3A_328 : i32 to vector<16xi32>
          %select_n3A_370 = arith.select %gt3A_367, %broadcast_in_dim3A_369, %select_n3A_322 : vector<16xi1>, vector<16xi32>
          %exp3A_371 = math.exp %get3A_366 : vector<16xf32>
          %add3A_372 = arith.addf %add3A_324, %exp3A_371 : vector<16xf32>
          scf.yield %select_n3A_335, %select_n3A_346, %select_n3A_357, %select_n3A_368, %select_n3A_337, %select_n3A_348, %select_n3A_359, %select_n3A_370, %add3A_339, %add3A_350, %add3A_361, %add3A_372 : vector<16xf32>, vector<16xf32>, vector<16xf32>, vector<16xf32>, vector<16xi32>, vector<16xi32>, vector<16xi32>, vector<16xi32>, vector<16xf32>, vector<16xf32>, vector<16xf32>, vector<16xf32>
        }
        %scan3A_98 = arith.constant 20 : i32
        %exp3A = math.exp %scan3A_97#0 : vector<16xf32>
        %div3A_99 = arith.divf %exp3A, %scan3A_97#8 : vector<16xf32>
        %mul3A_100 = arith.constant 64 : i32
        %mul3A_101 = arith.muli %scan3A_86, %mul3A_100 : i32
        %add3A_102 = arith.constant 0 : i32
        %add3A_103 = arith.addi %mul3A_101, %add3A_102 : i32
        %swap3A = arith.index_cast %add3A_103 : i32 to index
        %swap3A_104 = tpu.vector_load %arg6[%swap3A] {strides = array<i32>} : memref<512xf32, #tpu.memory_space<vmem>>, vector<16xf32>,
        %swap3A_105 = vector.shape_cast %swap3A_104 : vector<16xf32> to vector<16xf32>
        %swap3A_106 = vector.shape_cast %div3A_99 : vector<16xf32> to vector<16xf32>
        tpu.vector_store %arg6[%swap3A], %swap3A_106 {strides = array<i32>} : memref<512xf32, #tpu.memory_space<vmem>>, vector<16xf32>,
        %mul3A_107 = arith.constant 64 : i32
        %mul3A_108 = arith.muli %scan3A_86, %mul3A_107 : i32
        %add3A_109 = arith.constant 0 : i32
        %add3A_110 = arith.addi %mul3A_108, %add3A_109 : i32
        %swap3A_111 = arith.index_cast %add3A_110 : i32 to index
        %swap3A_112 = tpu.vector_load %arg7[%swap3A_111] {strides = array<i32>} : memref<512xi32, #tpu.memory_space<vmem>>, vector<16xi32>,
        %swap3A_113 = vector.shape_cast %swap3A_112 : vector<16xi32> to vector<16xi32>
        %swap3A_114 = vector.shape_cast %scan3A_97#4 : vector<16xi32> to vector<16xi32>
        tpu.vector_store %arg7[%swap3A_111], %swap3A_114 {strides = array<i32>} : memref<512xi32, #tpu.memory_space<vmem>>, vector<16xi32>,
        %exp3A_115 = math.exp %scan3A_97#1 : vector<16xf32>
        %div3A_116 = arith.divf %exp3A_115, %scan3A_97#9 : vector<16xf32>
        %mul3A_117 = arith.constant 64 : i32
        %mul3A_118 = arith.muli %scan3A_86, %mul3A_117 : i32
        %add3A_119 = arith.constant 16 : i32
        %add3A_120 = arith.addi %mul3A_118, %add3A_119 : i32
        %swap3A_121 = arith.index_cast %add3A_120 : i32 to index
        %swap3A_122 = tpu.vector_load %arg6[%swap3A_121] {strides = array<i32>} : memref<512xf32, #tpu.memory_space<vmem>>, vector<16xf32>,
        %swap3A_123 = vector.shape_cast %swap3A_122 : vector<16xf32> to vector<16xf32>
        %swap3A_124 = vector.shape_cast %div3A_116 : vector<16xf32> to vector<16xf32>
        tpu.vector_store %arg6[%swap3A_121], %swap3A_124 {strides = array<i32>} : memref<512xf32, #tpu.memory_space<vmem>>, vector<16xf32>,
        %mul3A_125 = arith.constant 64 : i32
        %mul3A_126 = arith.muli %scan3A_86, %mul3A_125 : i32
        %add3A_127 = arith.constant 16 : i32
        %add3A_128 = arith.addi %mul3A_126, %add3A_127 : i32
        %swap3A_129 = arith.index_cast %add3A_128 : i32 to index
        %swap3A_130 = tpu.vector_load %arg7[%swap3A_129] {strides = array<i32>} : memref<512xi32, #tpu.memory_space<vmem>>, vector<16xi32>,
        %swap3A_131 = vector.shape_cast %swap3A_130 : vector<16xi32> to vector<16xi32>
        %swap3A_132 = vector.shape_cast %scan3A_97#5 : vector<16xi32> to vector<16xi32>
        tpu.vector_store %arg7[%swap3A_129], %swap3A_132 {strides = array<i32>} : memref<512xi32, #tpu.memory_space<vmem>>, vector<16xi32>,
        %exp3A_133 = math.exp %scan3A_97#2 : vector<16xf32>
        %div3A_134 = arith.divf %exp3A_133, %scan3A_97#10 : vector<16xf32>
        %mul3A_135 = arith.constant 64 : i32
        %mul3A_136 = arith.muli %scan3A_86, %mul3A_135 : i32
        %add3A_137 = arith.constant 32 : i32
        %add3A_138 = arith.addi %mul3A_136, %add3A_137 : i32
        %swap3A_139 = arith.index_cast %add3A_138 : i32 to index
        %swap3A_140 = tpu.vector_load %arg6[%swap3A_139] {strides = array<i32>} : memref<512xf32, #tpu.memory_space<vmem>>, vector<16xf32>,
        %swap3A_141 = vector.shape_cast %swap3A_140 : vector<16xf32> to vector<16xf32>
        %swap3A_142 = vector.shape_cast %div3A_134 : vector<16xf32> to vector<16xf32>
        tpu.vector_store %arg6[%swap3A_139], %swap3A_142 {strides = array<i32>} : memref<512xf32, #tpu.memory_space<vmem>>, vector<16xf32>,
        %mul3A_143 = arith.constant 64 : i32
        %mul3A_144 = arith.muli %scan3A_86, %mul3A_143 : i32
        %add3A_145 = arith.constant 32 : i32
        %add3A_146 = arith.addi %mul3A_144, %add3A_145 : i32
        %swap3A_147 = arith.index_cast %add3A_146 : i32 to index
        %swap3A_148 = tpu.vector_load %arg7[%swap3A_147] {strides = array<i32>} : memref<512xi32, #tpu.memory_space<vmem>>, vector<16xi32>,
        %swap3A_149 = vector.shape_cast %swap3A_148 : vector<16xi32> to vector<16xi32>
        %swap3A_150 = vector.shape_cast %scan3A_97#6 : vector<16xi32> to vector<16xi32>
        tpu.vector_store %arg7[%swap3A_147], %swap3A_150 {strides = array<i32>} : memref<512xi32, #tpu.memory_space<vmem>>, vector<16xi32>,
        %exp3A_151 = math.exp %scan3A_97#3 : vector<16xf32>
        %div3A_152 = arith.divf %exp3A_151, %scan3A_97#11 : vector<16xf32>
        %mul3A_153 = arith.constant 64 : i32
        %mul3A_154 = arith.muli %scan3A_86, %mul3A_153 : i32
        %add3A_155 = arith.constant 48 : i32
        %add3A_156 = arith.addi %mul3A_154, %add3A_155 : i32
        %swap3A_157 = arith.index_cast %add3A_156 : i32 to index
        %swap3A_158 = tpu.vector_load %arg6[%swap3A_157] {strides = array<i32>} : memref<512xf32, #tpu.memory_space<vmem>>, vector<16xf32>,
        %swap3A_159 = vector.shape_cast %swap3A_158 : vector<16xf32> to vector<16xf32>
        %swap3A_160 = vector.shape_cast %div3A_152 : vector<16xf32> to vector<16xf32>
        tpu.vector_store %arg6[%swap3A_157], %swap3A_160 {strides = array<i32>} : memref<512xf32, #tpu.memory_space<vmem>>, vector<16xf32>,
        %mul3A_161 = arith.constant 64 : i32
        %mul3A_162 = arith.muli %scan3A_86, %mul3A_161 : i32
        %add3A_163 = arith.constant 48 : i32
        %add3A_164 = arith.addi %mul3A_162, %add3A_163 : i32
        %swap3A_165 = arith.index_cast %add3A_164 : i32 to index
        %swap3A_166 = tpu.vector_load %arg7[%swap3A_165] {strides = array<i32>} : memref<512xi32, #tpu.memory_space<vmem>>, vector<16xi32>,
        %swap3A_167 = vector.shape_cast %swap3A_166 : vector<16xi32> to vector<16xi32>
        %swap3A_168 = vector.shape_cast %scan3A_97#7 : vector<16xi32> to vector<16xi32>
        tpu.vector_store %arg7[%swap3A_165], %swap3A_168 {strides = array<i32>} : memref<512xi32, #tpu.memory_space<vmem>>, vector<16xi32>,
        %scan3A_169 = arith.constant 0 : i32
        scf.yield %scan3A_169 : i32
      }
      %scan3A_84 = arith.constant 8 : i32
      "tpu.region"() ({
        %run_scoped3A = tpu.sem_alloc : memref<!tpu.dma_semaphore, #tpu.memory_space<semaphore_mem>>
        %dma_start3A_86 = arith.constant 0 : i32
        %dma_start3A_87 = tpu.memref_slice %arg3[%select_n3A, %rem3A_36, %dma_start3A_86] : memref<24x8x512xf32, #tpu.memory_space<hbm>> -> memref<1x1x512xf32, #tpu.memory_space<hbm>>
        %dma_start3A_88 = tpu.memref_squeeze %dma_start3A_87 : memref<1x1x512xf32, #tpu.memory_space<hbm>> -> memref<512xf32, #tpu.memory_space<hbm>>
        %dma_start3A_89 = arith.constant 0 : i32
        %dma_start3A_90 = tpu.memref_slice %arg3[%select_n3A, %rem3A_36, %dma_start3A_89] : memref<24x8x512xf32, #tpu.memory_space<hbm>> -> memref<1x1x512xf32, #tpu.memory_space<hbm>>
        %dma_start3A_91 = tpu.memref_squeeze %dma_start3A_90 : memref<1x1x512xf32, #tpu.memory_space<hbm>> -> memref<512xf32, #tpu.memory_space<hbm>>
        tpu.enqueue_dma source(%arg6 : memref<512xf32, #tpu.memory_space<vmem>>) target(%dma_start3A_91 : memref<512xf32, #tpu.memory_space<hbm>>) target_semaphore(%run_scoped3A : memref<!tpu.dma_semaphore, #tpu.memory_space<semaphore_mem>>)
        %dma_wait3A_92 = arith.constant 0 : i32
        %dma_wait3A_93 = tpu.memref_slice %arg3[%select_n3A, %rem3A_36, %dma_wait3A_92] : memref<24x8x512xf32, #tpu.memory_space<hbm>> -> memref<1x1x512xf32, #tpu.memory_space<hbm>>
        %dma_wait3A_94 = tpu.memref_squeeze %dma_wait3A_93 : memref<1x1x512xf32, #tpu.memory_space<hbm>> -> memref<512xf32, #tpu.memory_space<hbm>>
        %dma_wait3A_95 = arith.constant 0 : i32
        %dma_wait3A_96 = tpu.memref_slice %arg3[%select_n3A, %rem3A_36, %dma_wait3A_95] : memref<24x8x512xf32, #tpu.memory_space<hbm>> -> memref<1x1x512xf32, #tpu.memory_space<hbm>>
        %dma_wait3A_97 = tpu.memref_squeeze %dma_wait3A_96 : memref<1x1x512xf32, #tpu.memory_space<hbm>> -> memref<512xf32, #tpu.memory_space<hbm>>
        tpu.wait_dma2 semaphore(%run_scoped3A : memref<!tpu.dma_semaphore, #tpu.memory_space<semaphore_mem>>) src(%arg6 : memref<512xf32, #tpu.memory_space<vmem>>) dst(%dma_wait3A_97 : memref<512xf32, #tpu.memory_space<hbm>>)
        tpu.yield
      }) : () -> ()
      "tpu.region"() ({
        %run_scoped3A = tpu.sem_alloc : memref<!tpu.dma_semaphore, #tpu.memory_space<semaphore_mem>>
        %dma_start3A_86 = arith.constant 0 : i32
        %dma_start3A_87 = tpu.memref_slice %arg4[%select_n3A, %rem3A_36, %dma_start3A_86] : memref<24x8x512xi32, #tpu.memory_space<hbm>> -> memref<1x1x512xi32, #tpu.memory_space<hbm>>
        %dma_start3A_88 = tpu.memref_squeeze %dma_start3A_87 : memref<1x1x512xi32, #tpu.memory_space<hbm>> -> memref<512xi32, #tpu.memory_space<hbm>>
        %dma_start3A_89 = arith.constant 0 : i32
        %dma_start3A_90 = tpu.memref_slice %arg4[%select_n3A, %rem3A_36, %dma_start3A_89] : memref<24x8x512xi32, #tpu.memory_space<hbm>> -> memref<1x1x512xi32, #tpu.memory_space<hbm>>
        %dma_start3A_91 = tpu.memref_squeeze %dma_start3A_90 : memref<1x1x512xi32, #tpu.memory_space<hbm>> -> memref<512xi32, #tpu.memory_space<hbm>>
        tpu.enqueue_dma source(%arg7 : memref<512xi32, #tpu.memory_space<vmem>>) target(%dma_start3A_91 : memref<512xi32, #tpu.memory_space<hbm>>) target_semaphore(%run_scoped3A : memref<!tpu.dma_semaphore, #tpu.memory_space<semaphore_mem>>)
        %dma_wait3A_92 = arith.constant 0 : i32
        %dma_wait3A_93 = tpu.memref_slice %arg4[%select_n3A, %rem3A_36, %dma_wait3A_92] : memref<24x8x512xi32, #tpu.memory_space<hbm>> -> memref<1x1x512xi32, #tpu.memory_space<hbm>>
        %dma_wait3A_94 = tpu.memref_squeeze %dma_wait3A_93 : memref<1x1x512xi32, #tpu.memory_space<hbm>> -> memref<512xi32, #tpu.memory_space<hbm>>
        %dma_wait3A_95 = arith.constant 0 : i32
        %dma_wait3A_96 = tpu.memref_slice %arg4[%select_n3A, %rem3A_36, %dma_wait3A_95] : memref<24x8x512xi32, #tpu.memory_space<hbm>> -> memref<1x1x512xi32, #tpu.memory_space<hbm>>
        %dma_wait3A_97 = tpu.memref_squeeze %dma_wait3A_96 : memref<1x1x512xi32, #tpu.memory_space<hbm>> -> memref<512xi32, #tpu.memory_space<hbm>>
        tpu.wait_dma2 semaphore(%run_scoped3A : memref<!tpu.dma_semaphore, #tpu.memory_space<semaphore_mem>>) src(%arg7 : memref<512xi32, #tpu.memory_space<vmem>>) dst(%dma_wait3A_97 : memref<512xi32, #tpu.memory_space<hbm>>)
        tpu.yield
      }) : () -> ()
      %while3A_85 = arith.constant 0 : i32
      scf.yield %while3A_85 : i32
    }
    return
  }
}

module attributes {stable_mosaic.version = 14 : i64} {
  func.func @_tc_kernel(%arg0: memref<1xf32, #tpu.memory_space<smem>>, %arg1: memref<8x255x64x64xf32, #tpu.memory_space<any>>, %arg2: memref<24x5x64x64xf32, #tpu.memory_space<vmem>>, %arg3: memref<24x64x64xi32, #tpu.memory_space<vmem>>, %arg4: memref<8x5x64x64xf32, #tpu.memory_space<vmem>>, %arg5: memref<8x!tpu.dma_semaphore, #tpu.memory_space<semaphore_mem>>) attributes {dimension_semantics = [], scalar_prefetch = 0 : i64, scratch_operands = 2 : i64, tpu.core_type = #tpu.core_type<tc>} {
    %dma_start3A = arith.constant 0 : i32
    %dma_start3A_0 = arith.constant 0 : i32
    %dma_start3A_1 = arith.constant 0 : i32
    %dma_start3A_2 = tpu.memref_slice %arg5[%dma_start3A_1] : memref<8x!tpu.dma_semaphore, #tpu.memory_space<semaphore_mem>> -> memref<1x!tpu.dma_semaphore, #tpu.memory_space<semaphore_mem>>
    %dma_start3A_3 = tpu.memref_squeeze %dma_start3A_2 : memref<1x!tpu.dma_semaphore, #tpu.memory_space<semaphore_mem>> -> memref<!tpu.dma_semaphore, #tpu.memory_space<semaphore_mem>>
    %dma_start3A_4 = arith.constant 0 : i32
    %dma_start3A_5 = arith.constant 0 : i32
    %dma_start3A_6 = arith.constant 0 : i32
    %dma_start3A_7 = tpu.memref_slice %arg4[%dma_start3A_0, %dma_start3A_4, %dma_start3A_5, %dma_start3A_6] : memref<8x5x64x64xf32, #tpu.memory_space<vmem>> -> memref<1x5x64x64xf32, #tpu.memory_space<vmem>>
    %dma_start3A_8 = tpu.memref_squeeze %dma_start3A_7 : memref<1x5x64x64xf32, #tpu.memory_space<vmem>> -> memref<5x64x64xf32, #tpu.memory_space<vmem>>
    %dma_start3A_9 = arith.constant 0 : i32
    %dma_start3A_10 = arith.constant 0 : i32
    %dma_start3A_11 = arith.constant 0 : i32
    %dma_start3A_12 = tpu.memref_slice %arg1[%dma_start3A, %dma_start3A_9, %dma_start3A_10, %dma_start3A_11] : memref<8x255x64x64xf32, #tpu.memory_space<any>> -> memref<1x5x64x64xf32, #tpu.memory_space<any>>
    %dma_start3A_13 = tpu.memref_squeeze %dma_start3A_12 : memref<1x5x64x64xf32, #tpu.memory_space<any>> -> memref<5x64x64xf32, #tpu.memory_space<any>>
    tpu.enqueue_dma source(%dma_start3A_13 : memref<5x64x64xf32, #tpu.memory_space<any>>) target(%dma_start3A_8 : memref<5x64x64xf32, #tpu.memory_space<vmem>>) target_semaphore(%dma_start3A_3 : memref<!tpu.dma_semaphore, #tpu.memory_space<semaphore_mem>>)
    %dma_start3A_14 = arith.constant 0 : i32
    %dma_start3A_15 = arith.constant 1 : i32
    %dma_start3A_16 = arith.constant 1 : i32
    %dma_start3A_17 = tpu.memref_slice %arg5[%dma_start3A_16] : memref<8x!tpu.dma_semaphore, #tpu.memory_space<semaphore_mem>> -> memref<1x!tpu.dma_semaphore, #tpu.memory_space<semaphore_mem>>
    %dma_start3A_18 = tpu.memref_squeeze %dma_start3A_17 : memref<1x!tpu.dma_semaphore, #tpu.memory_space<semaphore_mem>> -> memref<!tpu.dma_semaphore, #tpu.memory_space<semaphore_mem>>
    %dma_start3A_19 = arith.constant 0 : i32
    %dma_start3A_20 = arith.constant 0 : i32
    %dma_start3A_21 = arith.constant 0 : i32
    %dma_start3A_22 = tpu.memref_slice %arg4[%dma_start3A_15, %dma_start3A_19, %dma_start3A_20, %dma_start3A_21] : memref<8x5x64x64xf32, #tpu.memory_space<vmem>> -> memref<1x5x64x64xf32, #tpu.memory_space<vmem>>
    %dma_start3A_23 = tpu.memref_squeeze %dma_start3A_22 : memref<1x5x64x64xf32, #tpu.memory_space<vmem>> -> memref<5x64x64xf32, #tpu.memory_space<vmem>>
    %dma_start3A_24 = arith.constant 85 : i32
    %dma_start3A_25 = arith.constant 0 : i32
    %dma_start3A_26 = arith.constant 0 : i32
    %dma_start3A_27 = tpu.memref_slice %arg1[%dma_start3A_14, %dma_start3A_24, %dma_start3A_25, %dma_start3A_26] : memref<8x255x64x64xf32, #tpu.memory_space<any>> -> memref<1x5x64x64xf32, #tpu.memory_space<any>>
    %dma_start3A_28 = tpu.memref_squeeze %dma_start3A_27 : memref<1x5x64x64xf32, #tpu.memory_space<any>> -> memref<5x64x64xf32, #tpu.memory_space<any>>
    tpu.enqueue_dma source(%dma_start3A_28 : memref<5x64x64xf32, #tpu.memory_space<any>>) target(%dma_start3A_23 : memref<5x64x64xf32, #tpu.memory_space<vmem>>) target_semaphore(%dma_start3A_18 : memref<!tpu.dma_semaphore, #tpu.memory_space<semaphore_mem>>)
    %dma_start3A_29 = arith.constant 0 : i32
    %dma_start3A_30 = arith.constant 2 : i32
    %dma_start3A_31 = arith.constant 2 : i32
    %dma_start3A_32 = tpu.memref_slice %arg5[%dma_start3A_31] : memref<8x!tpu.dma_semaphore, #tpu.memory_space<semaphore_mem>> -> memref<1x!tpu.dma_semaphore, #tpu.memory_space<semaphore_mem>>
    %dma_start3A_33 = tpu.memref_squeeze %dma_start3A_32 : memref<1x!tpu.dma_semaphore, #tpu.memory_space<semaphore_mem>> -> memref<!tpu.dma_semaphore, #tpu.memory_space<semaphore_mem>>
    %dma_start3A_34 = arith.constant 0 : i32
    %dma_start3A_35 = arith.constant 0 : i32
    %dma_start3A_36 = arith.constant 0 : i32
    %dma_start3A_37 = tpu.memref_slice %arg4[%dma_start3A_30, %dma_start3A_34, %dma_start3A_35, %dma_start3A_36] : memref<8x5x64x64xf32, #tpu.memory_space<vmem>> -> memref<1x5x64x64xf32, #tpu.memory_space<vmem>>
    %dma_start3A_38 = tpu.memref_squeeze %dma_start3A_37 : memref<1x5x64x64xf32, #tpu.memory_space<vmem>> -> memref<5x64x64xf32, #tpu.memory_space<vmem>>
    %dma_start3A_39 = arith.constant 170 : i32
    %dma_start3A_40 = arith.constant 0 : i32
    %dma_start3A_41 = arith.constant 0 : i32
    %dma_start3A_42 = tpu.memref_slice %arg1[%dma_start3A_29, %dma_start3A_39, %dma_start3A_40, %dma_start3A_41] : memref<8x255x64x64xf32, #tpu.memory_space<any>> -> memref<1x5x64x64xf32, #tpu.memory_space<any>>
    %dma_start3A_43 = tpu.memref_squeeze %dma_start3A_42 : memref<1x5x64x64xf32, #tpu.memory_space<any>> -> memref<5x64x64xf32, #tpu.memory_space<any>>
    tpu.enqueue_dma source(%dma_start3A_43 : memref<5x64x64xf32, #tpu.memory_space<any>>) target(%dma_start3A_38 : memref<5x64x64xf32, #tpu.memory_space<vmem>>) target_semaphore(%dma_start3A_33 : memref<!tpu.dma_semaphore, #tpu.memory_space<semaphore_mem>>)
    %dma_start3A_44 = arith.constant 1 : i32
    %dma_start3A_45 = arith.constant 3 : i32
    %dma_start3A_46 = arith.constant 3 : i32
    %dma_start3A_47 = tpu.memref_slice %arg5[%dma_start3A_46] : memref<8x!tpu.dma_semaphore, #tpu.memory_space<semaphore_mem>> -> memref<1x!tpu.dma_semaphore, #tpu.memory_space<semaphore_mem>>
    %dma_start3A_48 = tpu.memref_squeeze %dma_start3A_47 : memref<1x!tpu.dma_semaphore, #tpu.memory_space<semaphore_mem>> -> memref<!tpu.dma_semaphore, #tpu.memory_space<semaphore_mem>>
    %dma_start3A_49 = arith.constant 0 : i32
    %dma_start3A_50 = arith.constant 0 : i32
    %dma_start3A_51 = arith.constant 0 : i32
    %dma_start3A_52 = tpu.memref_slice %arg4[%dma_start3A_45, %dma_start3A_49, %dma_start3A_50, %dma_start3A_51] : memref<8x5x64x64xf32, #tpu.memory_space<vmem>> -> memref<1x5x64x64xf32, #tpu.memory_space<vmem>>
    %dma_start3A_53 = tpu.memref_squeeze %dma_start3A_52 : memref<1x5x64x64xf32, #tpu.memory_space<vmem>> -> memref<5x64x64xf32, #tpu.memory_space<vmem>>
    %dma_start3A_54 = arith.constant 0 : i32
    %dma_start3A_55 = arith.constant 0 : i32
    %dma_start3A_56 = arith.constant 0 : i32
    %dma_start3A_57 = tpu.memref_slice %arg1[%dma_start3A_44, %dma_start3A_54, %dma_start3A_55, %dma_start3A_56] : memref<8x255x64x64xf32, #tpu.memory_space<any>> -> memref<1x5x64x64xf32, #tpu.memory_space<any>>
    %dma_start3A_58 = tpu.memref_squeeze %dma_start3A_57 : memref<1x5x64x64xf32, #tpu.memory_space<any>> -> memref<5x64x64xf32, #tpu.memory_space<any>>
    tpu.enqueue_dma source(%dma_start3A_58 : memref<5x64x64xf32, #tpu.memory_space<any>>) target(%dma_start3A_53 : memref<5x64x64xf32, #tpu.memory_space<vmem>>) target_semaphore(%dma_start3A_48 : memref<!tpu.dma_semaphore, #tpu.memory_space<semaphore_mem>>)
    %dma_start3A_59 = arith.constant 1 : i32
    %dma_start3A_60 = arith.constant 4 : i32
    %dma_start3A_61 = arith.constant 4 : i32
    %dma_start3A_62 = tpu.memref_slice %arg5[%dma_start3A_61] : memref<8x!tpu.dma_semaphore, #tpu.memory_space<semaphore_mem>> -> memref<1x!tpu.dma_semaphore, #tpu.memory_space<semaphore_mem>>
    %dma_start3A_63 = tpu.memref_squeeze %dma_start3A_62 : memref<1x!tpu.dma_semaphore, #tpu.memory_space<semaphore_mem>> -> memref<!tpu.dma_semaphore, #tpu.memory_space<semaphore_mem>>
    %dma_start3A_64 = arith.constant 0 : i32
    %dma_start3A_65 = arith.constant 0 : i32
    %dma_start3A_66 = arith.constant 0 : i32
    %dma_start3A_67 = tpu.memref_slice %arg4[%dma_start3A_60, %dma_start3A_64, %dma_start3A_65, %dma_start3A_66] : memref<8x5x64x64xf32, #tpu.memory_space<vmem>> -> memref<1x5x64x64xf32, #tpu.memory_space<vmem>>
    %dma_start3A_68 = tpu.memref_squeeze %dma_start3A_67 : memref<1x5x64x64xf32, #tpu.memory_space<vmem>> -> memref<5x64x64xf32, #tpu.memory_space<vmem>>
    %dma_start3A_69 = arith.constant 85 : i32
    %dma_start3A_70 = arith.constant 0 : i32
    %dma_start3A_71 = arith.constant 0 : i32
    %dma_start3A_72 = tpu.memref_slice %arg1[%dma_start3A_59, %dma_start3A_69, %dma_start3A_70, %dma_start3A_71] : memref<8x255x64x64xf32, #tpu.memory_space<any>> -> memref<1x5x64x64xf32, #tpu.memory_space<any>>
    %dma_start3A_73 = tpu.memref_squeeze %dma_start3A_72 : memref<1x5x64x64xf32, #tpu.memory_space<any>> -> memref<5x64x64xf32, #tpu.memory_space<any>>
    tpu.enqueue_dma source(%dma_start3A_73 : memref<5x64x64xf32, #tpu.memory_space<any>>) target(%dma_start3A_68 : memref<5x64x64xf32, #tpu.memory_space<vmem>>) target_semaphore(%dma_start3A_63 : memref<!tpu.dma_semaphore, #tpu.memory_space<semaphore_mem>>)
    %dma_start3A_74 = arith.constant 1 : i32
    %dma_start3A_75 = arith.constant 5 : i32
    %dma_start3A_76 = arith.constant 5 : i32
    %dma_start3A_77 = tpu.memref_slice %arg5[%dma_start3A_76] : memref<8x!tpu.dma_semaphore, #tpu.memory_space<semaphore_mem>> -> memref<1x!tpu.dma_semaphore, #tpu.memory_space<semaphore_mem>>
    %dma_start3A_78 = tpu.memref_squeeze %dma_start3A_77 : memref<1x!tpu.dma_semaphore, #tpu.memory_space<semaphore_mem>> -> memref<!tpu.dma_semaphore, #tpu.memory_space<semaphore_mem>>
    %dma_start3A_79 = arith.constant 0 : i32
    %dma_start3A_80 = arith.constant 0 : i32
    %dma_start3A_81 = arith.constant 0 : i32
    %dma_start3A_82 = tpu.memref_slice %arg4[%dma_start3A_75, %dma_start3A_79, %dma_start3A_80, %dma_start3A_81] : memref<8x5x64x64xf32, #tpu.memory_space<vmem>> -> memref<1x5x64x64xf32, #tpu.memory_space<vmem>>
    %dma_start3A_83 = tpu.memref_squeeze %dma_start3A_82 : memref<1x5x64x64xf32, #tpu.memory_space<vmem>> -> memref<5x64x64xf32, #tpu.memory_space<vmem>>
    %dma_start3A_84 = arith.constant 170 : i32
    %dma_start3A_85 = arith.constant 0 : i32
    %dma_start3A_86 = arith.constant 0 : i32
    %dma_start3A_87 = tpu.memref_slice %arg1[%dma_start3A_74, %dma_start3A_84, %dma_start3A_85, %dma_start3A_86] : memref<8x255x64x64xf32, #tpu.memory_space<any>> -> memref<1x5x64x64xf32, #tpu.memory_space<any>>
    %dma_start3A_88 = tpu.memref_squeeze %dma_start3A_87 : memref<1x5x64x64xf32, #tpu.memory_space<any>> -> memref<5x64x64xf32, #tpu.memory_space<any>>
    tpu.enqueue_dma source(%dma_start3A_88 : memref<5x64x64xf32, #tpu.memory_space<any>>) target(%dma_start3A_83 : memref<5x64x64xf32, #tpu.memory_space<vmem>>) target_semaphore(%dma_start3A_78 : memref<!tpu.dma_semaphore, #tpu.memory_space<semaphore_mem>>)
    %dma_start3A_89 = arith.constant 2 : i32
    %dma_start3A_90 = arith.constant 6 : i32
    %dma_start3A_91 = arith.constant 6 : i32
    %dma_start3A_92 = tpu.memref_slice %arg5[%dma_start3A_91] : memref<8x!tpu.dma_semaphore, #tpu.memory_space<semaphore_mem>> -> memref<1x!tpu.dma_semaphore, #tpu.memory_space<semaphore_mem>>
    %dma_start3A_93 = tpu.memref_squeeze %dma_start3A_92 : memref<1x!tpu.dma_semaphore, #tpu.memory_space<semaphore_mem>> -> memref<!tpu.dma_semaphore, #tpu.memory_space<semaphore_mem>>
    %dma_start3A_94 = arith.constant 0 : i32
    %dma_start3A_95 = arith.constant 0 : i32
    %dma_start3A_96 = arith.constant 0 : i32
    %dma_start3A_97 = tpu.memref_slice %arg4[%dma_start3A_90, %dma_start3A_94, %dma_start3A_95, %dma_start3A_96] : memref<8x5x64x64xf32, #tpu.memory_space<vmem>> -> memref<1x5x64x64xf32, #tpu.memory_space<vmem>>
    %dma_start3A_98 = tpu.memref_squeeze %dma_start3A_97 : memref<1x5x64x64xf32, #tpu.memory_space<vmem>> -> memref<5x64x64xf32, #tpu.memory_space<vmem>>
    %dma_start3A_99 = arith.constant 0 : i32
    %dma_start3A_100 = arith.constant 0 : i32
    %dma_start3A_101 = arith.constant 0 : i32
    %dma_start3A_102 = tpu.memref_slice %arg1[%dma_start3A_89, %dma_start3A_99, %dma_start3A_100, %dma_start3A_101] : memref<8x255x64x64xf32, #tpu.memory_space<any>> -> memref<1x5x64x64xf32, #tpu.memory_space<any>>
    %dma_start3A_103 = tpu.memref_squeeze %dma_start3A_102 : memref<1x5x64x64xf32, #tpu.memory_space<any>> -> memref<5x64x64xf32, #tpu.memory_space<any>>
    tpu.enqueue_dma source(%dma_start3A_103 : memref<5x64x64xf32, #tpu.memory_space<any>>) target(%dma_start3A_98 : memref<5x64x64xf32, #tpu.memory_space<vmem>>) target_semaphore(%dma_start3A_93 : memref<!tpu.dma_semaphore, #tpu.memory_space<semaphore_mem>>)
    %dma_start3A_104 = arith.constant 2 : i32
    %dma_start3A_105 = arith.constant 7 : i32
    %dma_start3A_106 = arith.constant 7 : i32
    %dma_start3A_107 = tpu.memref_slice %arg5[%dma_start3A_106] : memref<8x!tpu.dma_semaphore, #tpu.memory_space<semaphore_mem>> -> memref<1x!tpu.dma_semaphore, #tpu.memory_space<semaphore_mem>>
    %dma_start3A_108 = tpu.memref_squeeze %dma_start3A_107 : memref<1x!tpu.dma_semaphore, #tpu.memory_space<semaphore_mem>> -> memref<!tpu.dma_semaphore, #tpu.memory_space<semaphore_mem>>
    %dma_start3A_109 = arith.constant 0 : i32
    %dma_start3A_110 = arith.constant 0 : i32
    %dma_start3A_111 = arith.constant 0 : i32
    %dma_start3A_112 = tpu.memref_slice %arg4[%dma_start3A_105, %dma_start3A_109, %dma_start3A_110, %dma_start3A_111] : memref<8x5x64x64xf32, #tpu.memory_space<vmem>> -> memref<1x5x64x64xf32, #tpu.memory_space<vmem>>
    %dma_start3A_113 = tpu.memref_squeeze %dma_start3A_112 : memref<1x5x64x64xf32, #tpu.memory_space<vmem>> -> memref<5x64x64xf32, #tpu.memory_space<vmem>>
    %dma_start3A_114 = arith.constant 85 : i32
    %dma_start3A_115 = arith.constant 0 : i32
    %dma_start3A_116 = arith.constant 0 : i32
    %dma_start3A_117 = tpu.memref_slice %arg1[%dma_start3A_104, %dma_start3A_114, %dma_start3A_115, %dma_start3A_116] : memref<8x255x64x64xf32, #tpu.memory_space<any>> -> memref<1x5x64x64xf32, #tpu.memory_space<any>>
    %dma_start3A_118 = tpu.memref_squeeze %dma_start3A_117 : memref<1x5x64x64xf32, #tpu.memory_space<any>> -> memref<5x64x64xf32, #tpu.memory_space<any>>
    tpu.enqueue_dma source(%dma_start3A_118 : memref<5x64x64xf32, #tpu.memory_space<any>>) target(%dma_start3A_113 : memref<5x64x64xf32, #tpu.memory_space<vmem>>) target_semaphore(%dma_start3A_108 : memref<!tpu.dma_semaphore, #tpu.memory_space<semaphore_mem>>)
    %iota3A = tpu.iota {dimensions = array<i32: 1>} : vector<64x64xi32>
    %convert_element_type3A = arith.sitofp %iota3A : vector<64x64xi32> to vector<64x64xf32>
    %iota3A_119 = tpu.iota {dimensions = array<i32: 0>} : vector<64x64xi32>
    %convert_element_type3A_120 = arith.sitofp %iota3A_119 : vector<64x64xi32> to vector<64x64xf32>
    %get3A = arith.constant 0 : index
    %get3A_121 = memref.load %arg0[%get3A] : memref<1xf32, #tpu.memory_space<smem>>
    %scan3A = arith.constant 1.562500e-02 : f32
    %scan3A_122 = arith.constant 1.562500e-02 : f32
    %scan3A_123 = arith.constant 0 : i32
    %scan3A_124 = arith.constant 24 : i32
    %scan3A_125 = arith.addi %scan3A_123, %scan3A_124 : i32
    %scan3A_126 = arith.constant 1 : i32
    scf.for %scan3A_128 = %scan3A_123 to %scan3A_125 step %scan3A_126  : i32 {
      %rem3A = arith.constant 8 : i32
      %rem3A_129 = arith.remsi %scan3A_128, %rem3A : i32
      %rem3A_130 = arith.constant 3 : i32
      %rem3A_131 = arith.remsi %scan3A_128, %rem3A_130 : i32
      %jit3A = arith.constant 3 : i32
      %div3A = arith.divsi %scan3A_128, %jit3A : i32
      %sign3A = arith.constant 0 : i32
      %sign3A_132 = arith.cmpi sgt, %scan3A_128, %sign3A : i32
      %sign3A_133 = arith.extui %sign3A_132 : i1 to i32
      %sign3A_134 = arith.constant 0 : i32
      %sign3A_135 = arith.cmpi slt, %scan3A_128, %sign3A_134 : i32
      %sign3A_136 = arith.extui %sign3A_135 : i1 to i32
      %sign3A_137 = arith.subi %sign3A_133, %sign3A_136 : i32
      %sign3A_138 = arith.constant 0 : i32
      %sign3A_139 = arith.cmpi sgt, %jit3A, %sign3A_138 : i32
      %sign3A_140 = arith.extui %sign3A_139 : i1 to i32
      %sign3A_141 = arith.constant 0 : i32
      %sign3A_142 = arith.cmpi slt, %jit3A, %sign3A_141 : i32
      %sign3A_143 = arith.extui %sign3A_142 : i1 to i32
      %sign3A_144 = arith.subi %sign3A_140, %sign3A_143 : i32
      %ne3A = arith.cmpi ne, %sign3A_137, %sign3A_144 : i32
      %rem3A_145 = arith.remsi %scan3A_128, %jit3A : i32
      %ne3A_146 = arith.constant 0 : i32
      %ne3A_147 = arith.cmpi ne, %rem3A_145, %ne3A_146 : i32
      %and3A = arith.andi %ne3A, %ne3A_147 : i1
      %sub3A = arith.constant 1 : i32
      %sub3A_148 = arith.subi %div3A, %sub3A : i32
      %select_n3A = arith.select %and3A, %sub3A_148, %div3A : i32
      %jit3A_149 = arith.constant 3 : i32
      %eq3A = arith.constant 0 : i32
      %eq3A_150 = arith.cmpi eq, %jit3A_149, %eq3A : i32
      %jit3A_151 = arith.constant 1 : i32
      %select_n3A_152 = arith.select %eq3A_150, %jit3A_151, %jit3A_149 : i32
      %rem3A_153 = arith.remsi %scan3A_128, %select_n3A_152 : i32
      %ne3A_154 = arith.constant 0 : i32
      %ne3A_155 = arith.cmpi ne, %rem3A_153, %ne3A_154 : i32
      %lt3A = arith.constant 0 : i32
      %lt3A_156 = arith.cmpi slt, %rem3A_153, %lt3A : i32
      %lt3A_157 = arith.constant 0 : i32
      %lt3A_158 = arith.cmpi slt, %select_n3A_152, %lt3A_157 : i32
      %ne3A_159 = arith.xori %lt3A_156, %lt3A_158 : i1
      %and3A_160 = arith.andi %ne3A_159, %ne3A_155 : i1
      %add3A = arith.addi %rem3A_153, %select_n3A_152 : i32
      %select_n3A_161 = arith.select %and3A_160, %add3A, %rem3A_153 : i32
      %mul3A = arith.constant 85 : i32
      %mul3A_162 = arith.muli %select_n3A_161, %mul3A : i32
      %dma_wait3A = tpu.memref_slice %arg5[%rem3A_129] : memref<8x!tpu.dma_semaphore, #tpu.memory_space<semaphore_mem>> -> memref<1x!tpu.dma_semaphore, #tpu.memory_space<semaphore_mem>>
      %dma_wait3A_163 = tpu.memref_squeeze %dma_wait3A : memref<1x!tpu.dma_semaphore, #tpu.memory_space<semaphore_mem>> -> memref<!tpu.dma_semaphore, #tpu.memory_space<semaphore_mem>>
      %dma_wait3A_164 = arith.constant 0 : i32
      %dma_wait3A_165 = arith.constant 0 : i32
      %dma_wait3A_166 = arith.constant 0 : i32
      %dma_wait3A_167 = tpu.memref_slice %arg4[%rem3A_129, %dma_wait3A_164, %dma_wait3A_165, %dma_wait3A_166] : memref<8x5x64x64xf32, #tpu.memory_space<vmem>> -> memref<1x5x64x64xf32, #tpu.memory_space<vmem>>
      %dma_wait3A_168 = tpu.memref_squeeze %dma_wait3A_167 : memref<1x5x64x64xf32, #tpu.memory_space<vmem>> -> memref<5x64x64xf32, #tpu.memory_space<vmem>>
      %dma_wait3A_169 = arith.constant 0 : i32
      %dma_wait3A_170 = arith.constant 0 : i32
      %dma_wait3A_171 = tpu.memref_slice %arg1[%select_n3A, %mul3A_162, %dma_wait3A_169, %dma_wait3A_170] : memref<8x255x64x64xf32, #tpu.memory_space<any>> -> memref<1x5x64x64xf32, #tpu.memory_space<any>>
      %dma_wait3A_172 = tpu.memref_squeeze %dma_wait3A_171 : memref<1x5x64x64xf32, #tpu.memory_space<any>> -> memref<5x64x64xf32, #tpu.memory_space<any>>
      tpu.wait_dma2 semaphore(%dma_wait3A_163 : memref<!tpu.dma_semaphore, #tpu.memory_space<semaphore_mem>>) src(%dma_wait3A_172 : memref<5x64x64xf32, #tpu.memory_space<any>>) dst(%dma_wait3A_168 : memref<5x64x64xf32, #tpu.memory_space<vmem>>)
      %get3A_173 = arith.index_cast %rem3A_129 : i32 to index
      %get3A_174 = arith.constant 0 : index
      %get3A_175 = arith.constant 0 : index
      %get3A_176 = arith.constant 0 : index
      %get3A_177 = vector.load %arg4[%get3A_173, %get3A_174, %get3A_175, %get3A_176] : memref<8x5x64x64xf32, #tpu.memory_space<vmem>>, vector<1x5x64x64xf32>
      %get3A_178 = vector.shape_cast %get3A_177 : vector<1x5x64x64xf32> to vector<5x64x64xf32>
      %eq3A_179 = arith.constant 0 : i32
      %eq3A_180 = arith.cmpi eq, %rem3A_131, %eq3A_179 : i32
      %eq3A_181 = arith.constant 1 : i32
      %eq3A_182 = arith.cmpi eq, %rem3A_131, %eq3A_181 : i32
      %jit3A_183 = arith.constant 5.000000e-01 : f32
      %jit3A_184 = arith.constant 1.031250e+00 : f32
      %select_n3A_185 = arith.select %eq3A_182, %jit3A_183, %jit3A_184 : f32
      %jit3A_186 = arith.constant 3.125000e-01 : f32
      %select_n3A_187 = arith.select %eq3A_180, %jit3A_186, %select_n3A_185 : f32
      %eq3A_188 = arith.constant 0 : i32
      %eq3A_189 = arith.cmpi eq, %rem3A_131, %eq3A_188 : i32
      %eq3A_190 = arith.constant 1 : i32
      %eq3A_191 = arith.cmpi eq, %rem3A_131, %eq3A_190 : i32
      %jit3A_192 = arith.constant 9.375000e-01 : f32
      %jit3A_193 = arith.constant 7.187500e-01 : f32
      %select_n3A_194 = arith.select %eq3A_191, %jit3A_192, %jit3A_193 : f32
      %jit3A_195 = arith.constant 4.062500e-01 : f32
      %select_n3A_196 = arith.select %eq3A_189, %jit3A_195, %select_n3A_194 : f32
      %slice3A = vector.extract_strided_slice %get3A_178 {offsets = [4, 0, 0], sizes = [1, 64, 64], strides = [1, 1, 1]} : vector<5x64x64xf32> to vector<1x64x64xf32>
      %squeeze3A = vector.shape_cast %slice3A : vector<1x64x64xf32> to vector<64x64xf32>
      %logistic3A = arith.negf %squeeze3A : vector<64x64xf32>
      %logistic3A_197 = math.exp %logistic3A : vector<64x64xf32>
      %logistic3A_198 = arith.constant 1.000000e+00 : f32
      %logistic3A_199 = vector.broadcast %logistic3A_198 : f32 to vector<64x64xf32>
      %logistic3A_200 = arith.addf %logistic3A_199, %logistic3A_197 : vector<64x64xf32>
      %logistic3A_201 = arith.divf %logistic3A_199, %logistic3A_200 : vector<64x64xf32>
      %slice3A_202 = vector.extract_strided_slice %get3A_178 {offsets = [0, 0, 0], sizes = [1, 64, 64], strides = [1, 1, 1]} : vector<5x64x64xf32> to vector<1x64x64xf32>
      %squeeze3A_203 = vector.shape_cast %slice3A_202 : vector<1x64x64xf32> to vector<64x64xf32>
      %logistic3A_204 = arith.negf %squeeze3A_203 : vector<64x64xf32>
      %logistic3A_205 = math.exp %logistic3A_204 : vector<64x64xf32>
      %logistic3A_206 = arith.constant 1.000000e+00 : f32
      %logistic3A_207 = vector.broadcast %logistic3A_206 : f32 to vector<64x64xf32>
      %logistic3A_208 = arith.addf %logistic3A_207, %logistic3A_205 : vector<64x64xf32>
      %logistic3A_209 = arith.divf %logistic3A_207, %logistic3A_208 : vector<64x64xf32>
      %add3A_210 = arith.addf %logistic3A_209, %convert_element_type3A : vector<64x64xf32>
      %mul3A_211 = vector.broadcast %scan3A : f32 to vector<64x64xf32>
      %mul3A_212 = arith.mulf %add3A_210, %mul3A_211 : vector<64x64xf32>
      %swap3A = arith.index_cast %scan3A_128 : i32 to index
      %swap3A_213 = arith.constant 0 : index
      %swap3A_214 = arith.constant 0 : index
      %swap3A_215 = arith.constant 0 : index
      %swap3A_216 = vector.load %arg2[%swap3A, %swap3A_213, %swap3A_214, %swap3A_215] : memref<24x5x64x64xf32, #tpu.memory_space<vmem>>, vector<1x1x64x64xf32>
      %swap3A_217 = vector.shape_cast %swap3A_216 : vector<1x1x64x64xf32> to vector<64x64xf32>
      %swap3A_218 = vector.shape_cast %mul3A_212 : vector<64x64xf32> to vector<1x1x64x64xf32>
      tpu.vector_store %arg2[%swap3A, %swap3A_213, %swap3A_214, %swap3A_215], %swap3A_218 {strides = array<i32>} : memref<24x5x64x64xf32, #tpu.memory_space<vmem>>, vector<1x1x64x64xf32>,
      %slice3A_219 = vector.extract_strided_slice %get3A_178 {offsets = [1, 0, 0], sizes = [1, 64, 64], strides = [1, 1, 1]} : vector<5x64x64xf32> to vector<1x64x64xf32>
      %squeeze3A_220 = vector.shape_cast %slice3A_219 : vector<1x64x64xf32> to vector<64x64xf32>
      %logistic3A_221 = arith.negf %squeeze3A_220 : vector<64x64xf32>
      %logistic3A_222 = math.exp %logistic3A_221 : vector<64x64xf32>
      %logistic3A_223 = arith.constant 1.000000e+00 : f32
      %logistic3A_224 = vector.broadcast %logistic3A_223 : f32 to vector<64x64xf32>
      %logistic3A_225 = arith.addf %logistic3A_224, %logistic3A_222 : vector<64x64xf32>
      %logistic3A_226 = arith.divf %logistic3A_224, %logistic3A_225 : vector<64x64xf32>
      %add3A_227 = arith.addf %logistic3A_226, %convert_element_type3A_120 : vector<64x64xf32>
      %mul3A_228 = vector.broadcast %scan3A_122 : f32 to vector<64x64xf32>
      %mul3A_229 = arith.mulf %add3A_227, %mul3A_228 : vector<64x64xf32>
      %swap3A_230 = arith.index_cast %scan3A_128 : i32 to index
      %swap3A_231 = arith.constant 1 : index
      %swap3A_232 = arith.constant 0 : index
      %swap3A_233 = arith.constant 0 : index
      %swap3A_234 = vector.load %arg2[%swap3A_230, %swap3A_231, %swap3A_232, %swap3A_233] : memref<24x5x64x64xf32, #tpu.memory_space<vmem>>, vector<1x1x64x64xf32>
      %swap3A_235 = vector.shape_cast %swap3A_234 : vector<1x1x64x64xf32> to vector<64x64xf32>
      %swap3A_236 = vector.shape_cast %mul3A_229 : vector<64x64xf32> to vector<1x1x64x64xf32>
      tpu.vector_store %arg2[%swap3A_230, %swap3A_231, %swap3A_232, %swap3A_233], %swap3A_236 {strides = array<i32>} : memref<24x5x64x64xf32, #tpu.memory_space<vmem>>, vector<1x1x64x64xf32>,
      %slice3A_237 = vector.extract_strided_slice %get3A_178 {offsets = [2, 0, 0], sizes = [1, 64, 64], strides = [1, 1, 1]} : vector<5x64x64xf32> to vector<1x64x64xf32>
      %squeeze3A_238 = vector.shape_cast %slice3A_237 : vector<1x64x64xf32> to vector<64x64xf32>
      %exp3A = math.exp %squeeze3A_238 : vector<64x64xf32>
      %mul3A_239 = arith.mulf %select_n3A_187, %scan3A : f32
      %mul3A_240 = vector.broadcast %mul3A_239 : f32 to vector<64x64xf32>
      %mul3A_241 = arith.mulf %exp3A, %mul3A_240 : vector<64x64xf32>
      %swap3A_242 = arith.index_cast %scan3A_128 : i32 to index
      %swap3A_243 = arith.constant 2 : index
      %swap3A_244 = arith.constant 0 : index
      %swap3A_245 = arith.constant 0 : index
      %swap3A_246 = vector.load %arg2[%swap3A_242, %swap3A_243, %swap3A_244, %swap3A_245] : memref<24x5x64x64xf32, #tpu.memory_space<vmem>>, vector<1x1x64x64xf32>
      %swap3A_247 = vector.shape_cast %swap3A_246 : vector<1x1x64x64xf32> to vector<64x64xf32>
      %swap3A_248 = vector.shape_cast %mul3A_241 : vector<64x64xf32> to vector<1x1x64x64xf32>
      tpu.vector_store %arg2[%swap3A_242, %swap3A_243, %swap3A_244, %swap3A_245], %swap3A_248 {strides = array<i32>} : memref<24x5x64x64xf32, #tpu.memory_space<vmem>>, vector<1x1x64x64xf32>,
      %slice3A_249 = vector.extract_strided_slice %get3A_178 {offsets = [3, 0, 0], sizes = [1, 64, 64], strides = [1, 1, 1]} : vector<5x64x64xf32> to vector<1x64x64xf32>
      %squeeze3A_250 = vector.shape_cast %slice3A_249 : vector<1x64x64xf32> to vector<64x64xf32>
      %exp3A_251 = math.exp %squeeze3A_250 : vector<64x64xf32>
      %mul3A_252 = arith.mulf %select_n3A_196, %scan3A_122 : f32
      %mul3A_253 = vector.broadcast %mul3A_252 : f32 to vector<64x64xf32>
      %mul3A_254 = arith.mulf %exp3A_251, %mul3A_253 : vector<64x64xf32>
      %swap3A_255 = arith.index_cast %scan3A_128 : i32 to index
      %swap3A_256 = arith.constant 3 : index
      %swap3A_257 = arith.constant 0 : index
      %swap3A_258 = arith.constant 0 : index
      %swap3A_259 = vector.load %arg2[%swap3A_255, %swap3A_256, %swap3A_257, %swap3A_258] : memref<24x5x64x64xf32, #tpu.memory_space<vmem>>, vector<1x1x64x64xf32>
      %swap3A_260 = vector.shape_cast %swap3A_259 : vector<1x1x64x64xf32> to vector<64x64xf32>
      %swap3A_261 = vector.shape_cast %mul3A_254 : vector<64x64xf32> to vector<1x1x64x64xf32>
      tpu.vector_store %arg2[%swap3A_255, %swap3A_256, %swap3A_257, %swap3A_258], %swap3A_261 {strides = array<i32>} : memref<24x5x64x64xf32, #tpu.memory_space<vmem>>, vector<1x1x64x64xf32>,
      %swap3A_262 = arith.index_cast %scan3A_128 : i32 to index
      %swap3A_263 = arith.constant 4 : index
      %swap3A_264 = arith.constant 0 : index
      %swap3A_265 = arith.constant 0 : index
      %swap3A_266 = vector.load %arg2[%swap3A_262, %swap3A_263, %swap3A_264, %swap3A_265] : memref<24x5x64x64xf32, #tpu.memory_space<vmem>>, vector<1x1x64x64xf32>
      %swap3A_267 = vector.shape_cast %swap3A_266 : vector<1x1x64x64xf32> to vector<64x64xf32>
      %swap3A_268 = vector.shape_cast %logistic3A_201 : vector<64x64xf32> to vector<1x1x64x64xf32>
      tpu.vector_store %arg2[%swap3A_262, %swap3A_263, %swap3A_264, %swap3A_265], %swap3A_268 {strides = array<i32>} : memref<24x5x64x64xf32, #tpu.memory_space<vmem>>, vector<1x1x64x64xf32>,
      %gt3A = vector.broadcast %get3A_121 : f32 to vector<64x64xf32>
      %gt3A_269 = arith.cmpf ogt, %logistic3A_201, %gt3A : vector<64x64xf32>
      %swap3A_270 = arith.index_cast %scan3A_128 : i32 to index
      %swap3A_271 = arith.constant 0 : index
      %swap3A_272 = arith.constant 0 : index
      %swap3A_273 = vector.load %arg3[%swap3A_270, %swap3A_271, %swap3A_272] : memref<24x64x64xi32, #tpu.memory_space<vmem>>, vector<1x64x64xi32>
      %swap3A_274 = arith.extui %gt3A_269 : vector<64x64xi1> to vector<64x64xi32>
      %swap3A_275 = vector.shape_cast %swap3A_273 : vector<1x64x64xi32> to vector<64x64xi32>
      %swap3A_276 = vector.shape_cast %swap3A_274 : vector<64x64xi32> to vector<1x64x64xi32>
      %swap3A_277 = arith.constant dense<0> : vector<64x64xi32>
      %swap3A_278 = arith.cmpi ne, %swap3A_275, %swap3A_277 : vector<64x64xi32>
      tpu.vector_store %arg3[%swap3A_270, %swap3A_271, %swap3A_272], %swap3A_276 {strides = array<i32>} : memref<24x64x64xi32, #tpu.memory_space<vmem>>, vector<1x64x64xi32>,
      %add3A_279 = arith.constant 8 : i32
      %add3A_280 = arith.addi %scan3A_128, %add3A_279 : i32
      %lt3A_281 = arith.constant 24 : i32
      %lt3A_282 = arith.cmpi slt, %add3A_280, %lt3A_281 : i32
      %convert_element_type3A_283 = arith.extui %lt3A_282 : i1 to i32
      %cond3A = arith.constant 0 : i32
      %cond3A_284 = arith.cmpi ne, %convert_element_type3A_283, %cond3A : i32
      scf.if %cond3A_284 {
        %add3A_285 = arith.constant 8 : i32
        %add3A_286 = arith.addi %scan3A_128, %add3A_285 : i32
        %jit3A_287 = arith.constant 3 : i32
        %div3A_288 = arith.divsi %add3A_286, %jit3A_287 : i32
        %sign3A_289 = arith.constant 0 : i32
        %sign3A_290 = arith.cmpi sgt, %add3A_286, %sign3A_289 : i32
        %sign3A_291 = arith.extui %sign3A_290 : i1 to i32
        %sign3A_292 = arith.constant 0 : i32
        %sign3A_293 = arith.cmpi slt, %add3A_286, %sign3A_292 : i32
        %sign3A_294 = arith.extui %sign3A_293 : i1 to i32
        %sign3A_295 = arith.subi %sign3A_291, %sign3A_294 : i32
        %sign3A_296 = arith.constant 0 : i32
        %sign3A_297 = arith.cmpi sgt, %jit3A_287, %sign3A_296 : i32
        %sign3A_298 = arith.extui %sign3A_297 : i1 to i32
        %sign3A_299 = arith.constant 0 : i32
        %sign3A_300 = arith.cmpi slt, %jit3A_287, %sign3A_299 : i32
        %sign3A_301 = arith.extui %sign3A_300 : i1 to i32
        %sign3A_302 = arith.subi %sign3A_298, %sign3A_301 : i32
        %ne3A_303 = arith.cmpi ne, %sign3A_295, %sign3A_302 : i32
        %rem3A_304 = arith.remsi %add3A_286, %jit3A_287 : i32
        %ne3A_305 = arith.constant 0 : i32
        %ne3A_306 = arith.cmpi ne, %rem3A_304, %ne3A_305 : i32
        %and3A_307 = arith.andi %ne3A_303, %ne3A_306 : i1
        %sub3A_308 = arith.constant 1 : i32
        %sub3A_309 = arith.subi %div3A_288, %sub3A_308 : i32
        %select_n3A_310 = arith.select %and3A_307, %sub3A_309, %div3A_288 : i32
        %jit3A_311 = arith.constant 3 : i32
        %eq3A_312 = arith.constant 0 : i32
        %eq3A_313 = arith.cmpi eq, %jit3A_311, %eq3A_312 : i32
        %jit3A_314 = arith.constant 1 : i32
        %select_n3A_315 = arith.select %eq3A_313, %jit3A_314, %jit3A_311 : i32
        %rem3A_316 = arith.remsi %add3A_286, %select_n3A_315 : i32
        %ne3A_317 = arith.constant 0 : i32
        %ne3A_318 = arith.cmpi ne, %rem3A_316, %ne3A_317 : i32
        %lt3A_319 = arith.constant 0 : i32
        %lt3A_320 = arith.cmpi slt, %rem3A_316, %lt3A_319 : i32
        %lt3A_321 = arith.constant 0 : i32
        %lt3A_322 = arith.cmpi slt, %select_n3A_315, %lt3A_321 : i32
        %ne3A_323 = arith.xori %lt3A_320, %lt3A_322 : i1
        %and3A_324 = arith.andi %ne3A_323, %ne3A_318 : i1
        %add3A_325 = arith.addi %rem3A_316, %select_n3A_315 : i32
        %select_n3A_326 = arith.select %and3A_324, %add3A_325, %rem3A_316 : i32
        %mul3A_327 = arith.constant 85 : i32
        %mul3A_328 = arith.muli %select_n3A_326, %mul3A_327 : i32
        %dma_start3A_329 = tpu.memref_slice %arg5[%rem3A_129] : memref<8x!tpu.dma_semaphore, #tpu.memory_space<semaphore_mem>> -> memref<1x!tpu.dma_semaphore, #tpu.memory_space<semaphore_mem>>
        %dma_start3A_330 = tpu.memref_squeeze %dma_start3A_329 : memref<1x!tpu.dma_semaphore, #tpu.memory_space<semaphore_mem>> -> memref<!tpu.dma_semaphore, #tpu.memory_space<semaphore_mem>>
        %dma_start3A_331 = arith.constant 0 : i32
        %dma_start3A_332 = arith.constant 0 : i32
        %dma_start3A_333 = arith.constant 0 : i32
        %dma_start3A_334 = tpu.memref_slice %arg4[%rem3A_129, %dma_start3A_331, %dma_start3A_332, %dma_start3A_333] : memref<8x5x64x64xf32, #tpu.memory_space<vmem>> -> memref<1x5x64x64xf32, #tpu.memory_space<vmem>>
        %dma_start3A_335 = tpu.memref_squeeze %dma_start3A_334 : memref<1x5x64x64xf32, #tpu.memory_space<vmem>> -> memref<5x64x64xf32, #tpu.memory_space<vmem>>
        %dma_start3A_336 = arith.constant 0 : i32
        %dma_start3A_337 = arith.constant 0 : i32
        %dma_start3A_338 = tpu.memref_slice %arg1[%select_n3A_310, %mul3A_328, %dma_start3A_336, %dma_start3A_337] : memref<8x255x64x64xf32, #tpu.memory_space<any>> -> memref<1x5x64x64xf32, #tpu.memory_space<any>>
        %dma_start3A_339 = tpu.memref_squeeze %dma_start3A_338 : memref<1x5x64x64xf32, #tpu.memory_space<any>> -> memref<5x64x64xf32, #tpu.memory_space<any>>
        tpu.enqueue_dma source(%dma_start3A_339 : memref<5x64x64xf32, #tpu.memory_space<any>>) target(%dma_start3A_335 : memref<5x64x64xf32, #tpu.memory_space<vmem>>) target_semaphore(%dma_start3A_330 : memref<!tpu.dma_semaphore, #tpu.memory_space<semaphore_mem>>)
      } else {
      }
    }
    %scan3A_127 = arith.constant 24 : i32
    return
  }
}

</mosaic_0001>

<sc_bundles>
// kernel: _decode.4.cloned.1.call-start
scs
__scs_entry_jumppad:
0x0: {  	(pc) =	sbr.rel $0x88, $3  }
0x1: {  	(tag) =	ssettag $0x0;
	lr =	simm.s32 $0x1  }
0x2: {  	[smem:$0x3F9F] =	sst lr;
	_ =	strace $0xD0000000  }
0x3: {  	_ = 	snop  }
0x4: {  	_ = 	snop  }
0x5: {  	_ = 	snop  }
0x6: {  	_ = 	snop  }
0x7: {  	_ = 	snop  }
__scs_overlays_trampoline_lowered:
0x8: {  	[smem:$0x3FAE] =	sst s0  }
0x9: {  	[smem:$0x3FAF] =	sst s1  }
0xa: {  	[smem:$0x3FB0] =	sst s2  }
0xb: {  	[smem:$0x3FB1] =	sst s3  }
0xc: {  	[smem:$0x3FB2] =	sst s4  }
0xd: {  	[smem:$0x3FB3] =	sst s5  }
0xe: {  	[smem:$0x3FB4] =	sst s6  }
0xf: {  	[smem:$0x3FB5] =	sst s7  }
0x10: {  	[smem:$0x3FB6] =	sst s8  }
0x11: {  	[smem:$0x3FB7] =	sst s9;
	s0 =	simm.s32 @!p0 $0x0  }
0x12: {  	s1 =	sld [smem:$0x3F9D];
	s0 =	simm.s32 @p0 $0x1  }
0x13: {  	[smem:$0x3FB8] =	sst s0;
	s0 =	simm.s32 @!p1 $0x0  }
0x14: {  	s2 =	sld [smem:$0x3F9C];
	s0 =	simm.s32 @p1 $0x1  }
0x15: {  	[smem:$0x3FB9] =	sst s0;
	s0 =	simm.s32 @!p2 $0x0  }
0x16: {  	s3 =	sld [smem:$0x3FDB];
	s0 =	simm.s32 @p2 $0x1  }
0x17: {  	s4 =	simm.s32 $0x1BF5;
	[smem:$0x3FBB] =	sst s0  }
0x18: {  	s0 =	sld [smem:$0x3F9E];
	_ =	swait.ge [sflag:s4], $0x0  }
0x19: {  	s7 =	sld [smem:$0x3F9F]  }
0x1a: {  	s8 =	sadd.s32 $0xFFFFE003, lr  }
0x1b: {  	s9 =	sadd.s32 $0xFFFFFEF7, lr;
	s5 =	simm.s32 $0xFFFFFFFF;
	p2 =	slt.u32 s8, $0xFFFFF086  }
0x1c: {  	p1 =	slt.u32 s9, $0xF7A;
	s5 =	simm.s32 @!p2 $0x0  }
0x1d: {  	s5 =	simm.s32 @p1 $0x1;
	p0 =	seq.s32 s7, s2  }
0x1e: {  	s7 =	smul.u32 @!p0 $0xF7A, s2;
	p2 =	seq.s32 @!p0 s5, $0x0  }
0x1f: {  	s9 =	smul.u32 $0xF7A, s1;
	s8 =	simm.s32 @!p0 $0x1BF5;
	p2 =	por !p2, p0  }
0x20: {  	[sflag:s8] =	ssyncset.s32 @!p0 $0xFFFFF086;
	s6 =	sadd.s32 @!p0 s3, s7;
	s7 =	simm.s32 @!p0 $0x108  }
0x21: {  	s3 =	sadd.s32 s3, s9;
	s6 =	sadd.s32 @!p0 $0x88, s6;
	s7 =	simm.s32 @p2 $0x1082  }
0x22: {  	[simem:s7], [sflag:s8] =	dma.local @!p0 [hbm:s6], $0xF7A  }
0x23: {  	s9 =	sor.u32 $0xD0000000, s2;
	s6 =	simm.s32 $0x108;
	_ =	swait.ge @!p0 [sflag:s8], $0x0  }
0x24: {  	s3 =	sadd.s32 $0x88, s3;
	s6 =	simm.s32 @!p1 $0x1082;
	[sflag:s4] =	ssyncset.s32 $0xFFFFF086  }
0x25: {  	[simem:s6], [sflag:s4] =	dma.local [hbm:s3], $0xF7A  }
0x26: {  	[smem:$0x3F9F] =	sst s1;
	(tag) =	ssettag s2;
	_ =	strace s9  }
0x27: {  	s1 =	sld [smem:$0x3FAF]  }
0x28: {  	s2 =	sld [smem:$0x3FB0]  }
0x29: {  	s4 =	sld [smem:$0x3FB2]  }
0x2a: {  	p0 =	seq.s32 s5, $0x0;
	s5 =	sld [smem:$0x3FB3]  }
0x2b: {  	s6 =	sld [smem:$0x3FB4]  }
0x2c: {  	s7 =	sld [smem:$0x3FB5]  }
0x2d: {  	s3 =	simm.s32 $0x108;
	s8 =	sld [smem:$0x3FB6]  }
0x2e: {  	s3 =	simm.s32 @!p0 $0x1082;
	s9 =	sld [smem:$0x3FB7]  }
0x2f: {  	lr =	sadd.s32 s0, s3;
	s0 =	sld [smem:$0x3FAE]  }
0x30: {  	s3 =	sld [smem:$0x3FB1]  }
0x31: {  	[smem:$0x3FBA] =	sst s10  }
0x32: {  	s10 =	sld [smem:$0x3FB8];
	_ =	sdelay $0x3  }
0x33: {  	p0 =	seq.s32 s10, $0x1;
	s10 =	sld [smem:$0x3FBA];
	_ =	sdelay $0x3  }
0x34: {  	[smem:$0x3FBA] =	sst s10  }
0x35: {  	s10 =	sld [smem:$0x3FB9];
	_ =	sdelay $0x3  }
0x36: {  	p1 =	seq.s32 s10, $0x1;
	s10 =	sld [smem:$0x3FBA];
	_ =	sdelay $0x3  }
0x37: {  	[smem:$0x3FBA] =	sst s10  }
0x38: {  	s10 =	sld [smem:$0x3FBB]  }
0x39: {  	_ = 	snop;
	(pc) =	sbr.ind lr, $3  }
0x3a: {  	_ = 	snop  }
0x3b: {  	_ = 	snop  }
0x3c: {  	p2 =	seq.s32 s10, $0x1;
	s10 =	sld [smem:$0x3FBA]  }
0x3d: {  	_ =	shalt  }
0x3e: {  	_ =	shalt  }
0x3f: {  	_ =	shalt  }
0x40: {  	_ =	shalt  }
0x41: {  	_ =	shalt  }
0x42: {  	_ =	shalt  }
0x43: {  	_ =	shalt  }
0x44: {  	_ =	shalt  }
0x45: {  	_ =	shalt  }
0x46: {  	_ =	shalt  }
0x47: {  	_ =	shalt  }
0x48: {  	_ =	shalt  }
0x49: {  	_ =	shalt  }
0x4a: {  	_ =	shalt  }
0x4b: {  	_ =	shalt  }
0x4c: {  	_ =	shalt  }
0x4d: {  	_ =	shalt  }
0x4e: {  	_ =	shalt  }
0x4f: {  	_ =	shalt  }
0x50: {  	_ =	shalt  }
0x51: {  	_ =	shalt  }
0x52: {  	_ =	shalt  }
0x53: {  	_ =	shalt  }
0x54: {  	_ =	shalt  }
0x55: {  	_ =	shalt  }
0x56: {  	_ =	shalt  }
0x57: {  	_ =	shalt  }
0x58: {  	_ =	shalt  }
0x59: {  	_ =	shalt  }
0x5a: {  	_ =	shalt  }
0x5b: {  	_ =	shalt  }
0x5c: {  	_ =	shalt  }
0x5d: {  	_ =	shalt  }
0x5e: {  	_ =	shalt  }
0x5f: {  	_ =	shalt  }
0x60: {  	_ =	shalt  }
0x61: {  	_ =	shalt  }
0x62: {  	_ =	shalt  }
0x63: {  	_ =	shalt  }
0x64: {  	_ =	shalt  }
0x65: {  	_ =	shalt  }
0x66: {  	_ =	shalt  }
0x67: {  	_ =	shalt  }
0x68: {  	_ =	shalt  }
0x69: {  	_ =	shalt  }
0x6a: {  	_ =	shalt  }
0x6b: {  	_ =	shalt  }
0x6c: {  	_ =	shalt  }
0x6d: {  	_ =	shalt  }
0x6e: {  	_ =	shalt  }
0x6f: {  	_ =	shalt  }
0x70: {  	_ =	shalt  }
0x71: {  	_ =	shalt  }
0x72: {  	_ =	shalt  }
0x73: {  	_ =	shalt  }
0x74: {  	_ =	shalt  }
0x75: {  	_ =	shalt  }
0x76: {  	_ =	shalt  }
0x77: {  	_ =	shalt  }
0x78: {  	_ =	shalt  }
0x79: {  	_ =	shalt  }
0x7a: {  	_ =	shalt  }
0x7b: {  	_ =	shalt  }
0x7c: {  	_ =	shalt  }
0x7d: {  	_ =	shalt  }
0x7e: {  	_ =	shalt  }
0x7f: {  	_ =	shalt  }
0x80: {  	_ =	shalt  }
0x81: {  	_ =	shalt  }
0x82: {  	_ =	shalt  }
0x83: {  	_ =	shalt  }
0x84: {  	_ =	shalt  }
0x85: {  	_ =	shalt  }
0x86: {  	_ =	shalt  }
0x87: {  	_ =	shalt  }
.Lfunc_end0:
.L_simem_size_0:
called_computation_lowered:
.L_overlay_start_0:
0x88: {  	s2 =	sld [smem:$0x3FD9]  }
0x89: {  	s3 =	sld [smem:$0x3FFE];
	_ =	sdelay $0x1  }
0x8a: {  	s1 =	srdreg.scid  }
0x8b: {  	s0 =	sand.u32 $0x1, s1  }
0x8c: {  	s14 =	sshll.u32 s0, $0xA;
	s2 =	sadd.s32 s3, s2  }
0x8d: {  	s2 =	sadd.s32 s2, s14  }
0x8e: {  	[smem:$0x3FC6] =	sst s2  }
0x8f: {  	_ = 	snop  }
0x90: {  	s2 =	sld [smem:$0x3FD0];
	_ =	sdelay $0x2  }
0x91: {  	s15 =	simm.s32 $0xA;
	s4 =	simm.s32 $0x10  }
0x92: {  	[smem:s4], [sflag:s15] =	dma.local [hbm:s2], $0x1  }
0x93: {  	_ =	swait.eq [sflag:s15], $0x1  }
0x94: {  	[sflag:s15] =	ssyncset.done $0x0  }
0x95: {  	s16 =	sld [smem:$0x11];
	[sflag:s15] =	ssyncadd.s32 $0xFFFFFFFF  }
0x96: {  	s17 =	sld [smem:$0x12];
	(tm) =	ssettm $0x1  }
0x97: {  	s18 =	sld [smem:$0x3FFB];
	_ =	sdelay $0x3  }
0x98: {  	_ =	strace s18  }
0x99: {  	s4 =	sld [smem:$0x3FFC];
	_ =	sdelay $0x3  }
0x9a: {  	_ =	strace s4  }
0x9b: {  	s4 =	sld [smem:$0x3FFD];
	_ =	sdelay $0x3  }
0x9c: {  	_ =	strace s4  }
0x9d: {  	_ =	strace $0x8FFFFFFF  }
0x9e: {  	s19 =	sld [smem:$0x3FDB];
	_ =	sdelay $0x1  }
0x9f: {  	s5 =	simm.s32 $_scs_section_size  }
0xa0: {  	s6 =	simm.s32 $_size__tile_overlayer_lowered;
	s7 =	simm.s32 $_tile_overlayer_lowered  }
0xa1: {  	s22 =	simm.s32 $0x1BFF;
	s21 =	sshll.u32 s7, $0x1;
	s4 =	sadd.s32 s5, s19  }
0xa2: {  	s8 =	simm.s32 $0x0;
	s20 =	sshll.u32 s6, $0x1;
	s6 =	sadd.s32 s21, s4  }
0xa3: {  	[timem:s8], [sflag:s22] =	dma.local [hbm:s6], s20  }
0xa4: {  	_ =	swait.ge [sflag:s22], s20  }
0xa5: {  	s5 =	ssub.s32 $0x0, s20;
	[sflag:s22] =	ssyncset.done $0x0  }
0xa6: {  	[sflag:s22] =	ssyncadd.s32 s5;
	_ =	sdelay $0x1  }
0xa7: {  	s23 =	simm.s32 $0x1B8B  }
0xa8: {  	_ =	swait.ge [sflag:s23], $0x1  }
0xa9: {  	[sflag:s23] =	ssyncset.done $0x0  }
0xaa: {  	s25 =	simm.s32 $0x1B8E;
	s24 =	sld [smem:$0x3FFE];
	[sflag:s23] =	ssyncadd.s32 $0xFFFFFFFF  }
0xab: {  	s26 =	simm.s32 $execute0_lowered;
	[smem:$0x3FD2] =	sst s25  }
0xac: {  	s6 =	sshll.u32 s26, $0x1;
	_ =	strace $0x80000046;
	[dreg:$0x1] =	wrdreg $0xFFFFFFFF  }
0xad: {  	s28 =	simm.s32 $_size_execute0_lowered;
	s4 =	sadd.s32 s4, s6;
	[dreg:$0x0] =	wrdreg $0x0  }
0xae: {  	s6 =	sshll.u32 s28, $0x1;
	[dreg:$0x2] =	wrdreg s4  }
0xaf: {  	[dreg:$0x3] =	wrdreg s6  }
0xb0: {  	[dreg:$0x4] =	wrdreg $0xC0  }
0xb1: {  	_ =	task [dreg:s8], $0x5FFFF  }
0xb2: {  	[dreg:$0x1] =	wrdreg $0xFFFFFFFF  }
0xb3: {  	[dreg:$0x0] =	wrdreg $0x60  }
0xb4: {  	[dreg:$0x2] =	wrdreg s24  }
0xb5: {  	[dreg:$0x3] =	wrdreg s16  }
0xb6: {  	[dreg:$0x4] =	wrdreg s17  }
0xb7: {  	[dreg:$0x5] =	wrdreg $0x9  }
0xb8: {  	_ =	task.clear_ibuf [dreg:s8], $0x6FFFF;
	_ =	strace $0x90000046  }
0xb9: {  	s29 =	simm.s32 $0x9;
	_ =	strace $0x80000048  }
0xba: {  	_ =	swait.ge [sflag:s29], $0x1  }
0xbb: {  	[sflag:s29] =	ssyncadd.s32 $0xFFFFFFFF  }
0xbc: {  	_ =	strace $0x90000048  }
0xbd: {  	_ =	sfence  }
0xbe: {  	s30 =	sld [smem:$0x0];
	_ =	sdelay $0x2  }
0xbf: {  	s31 =	sshll.u32 s1, $0xD;
	s1 =	sshrl.u32 s1, $0x2  }
0xc0: {  	s3 =	sand.u32 $0x4000, s31;
	s1 =	sadd.s32 s1, s30  }
0xc1: {  	s0 =	sor.u32 s3, s0;
	s1 =	sshll.u32 s1, $0x11  }
0xc2: {  	s0 =	sor.u32 s1, s0  }
0xc3: {  	s0 =	sadd.s32 $0x8F2B, s0  }
0xc4: {  	[sflag:s0] =	ssyncadd.remote.s32 $0x1  }
0xc5: {  	_ =	sfence.sel $0xFFFF  }
0xc6: {  	[dreg:$0x0] =	wrdreg $0xFFFFFFFF;
	(pc) =	sbr.abs _section_cstart, $3  }
0xc7: {  	[dreg:$0x1] =	wrdreg $0xFFFFFFFF  }
0xc8: {  	_ =	task.clear_ibuf [dreg:s8], $0x2FFFF;
	_ =	strace $0x9FFFFFFF  }
0xc9: {  	(tm) =	ssettm $0x7FFFFFFF  }
tec
execute0_lowered:
.L_overlay_start_1:
0x0: {  	(tag) =	ssettag $0x1  }
0x1: {  	s6 =	rddreg [dreg:$0x0]  }
0x2: {  	s2 =	rddreg [dreg:$0x1]  }
0x3: {  	s3 =	rddreg [dreg:$0x2]  }
0x4: {  	s4 =	srdreg.scid;
	s1 =	stileid.u32  }
0x5: {  	s0 =	rddreg [dreg:$0x3];
	s9 =	simm.s32 $0x400;
	s10 =	simm.s32 $0x2000  }
0x6: {  	s11 =	simm.s32 $0x1;
	s12 =	simm.s32 $0x80;
	s13 =	simm.s32 $0x14000  }
0x7: {  	s14 =	simm.s32 $0x2;
	s5 =	sand.u32 $0x1, s4;
	s7 =	sshll.u32 s1, $0x1  }
0x8: {  	s15 =	simm.s32 $0x14200;
	s8 =	ssub.s32 $0x2, s5;
	s5 =	sor.u32 s5, s7  }
0x9: {  	s4 =	simm.s32 $0x0;
	s31 =	sshrl.u32 s8, $0x1;
	s5 =	smul.u32 $0x6, s5  }
0xa: {  	s6 =	sadd.s32 $0xA00, s6;
	[smem:$0x7FF] =	sst s4;
	s8 =	ssub.s32 s8, s31  }
0xb: {  	_ =	strace $0x80000047;
	s7 =	sadd.s32 $0x6, s5;
	s8 =	smax.u32 s8, $0x1  }
.LBB2_1:
0xc: {  	s16 =	smov.u32 s5  }
.LBB2_2:
0xd: {  	s17 =	sshrl.u32 s16, $0x3  }
0xe: {  	s18 =	smulhi.u32 $0x55555556, s17  }
0xf: {  	s19 =	smulhi.u32 $0xAAAAAAAB, s16  }
0x10: {  	s20 =	smul.u32 $0x3, s18  }
0x11: {  	s19 =	sshrl.u32 s19, $0x4  }
0x12: {  	s18 =	sand.u32 $0x7, s16;
	s19 =	smul.u32 $0x1FE000, s19;
	s20 =	ssub.s32 s17, s20  }
0x13: {  	s21 =	sshll.u32 s18, $0xA;
	s20 =	smul.u32 $0xAA000, s20  }
0x14: {  	s19 =	sor.u32 s21, s19  }
0x15: {  	s19 =	sadd.s32 s20, s19  }
0x16: {  	s19 =	sadd.s32 $0xA000, s19  }
0x17: {  	s19 =	sshrl.u32 s19, $0x3  }
0x18: {  	s31 =	sadd.s32 s6, s19;
	s19 =	simm.s32 $0x0  }
0x19: {  	[tilespmem:s19], [sflag:$0x1] =	stream.strided.gather [hbm4b:s31+s9], $0x14000, s10, s9, $0x38;
	[tilespmem:$0x14400] =	vst v63  }
0x1a: {  	_ =	swait.ge [sflag:s11], $0x14000  }
0x1b: {  	[sflag:s11] =	ssyncset.done $0x0  }
0x1c: {  	s20 =	simm.s32 $0x800;
	[sflag:s11] =	ssyncadd.s32 $0xFFFEC000  }
.LBB2_3:
0x1d: {  	v5 =	vld [tilespmem:s20+$0xFFFFF800]  }
0x1e: {  	v8 =	vld [tilespmem:s20+$0x10]  }
0x1f: {  	v1 =	vld [tilespmem:s20+$0x30]  }
0x20: {  	v12 =	vld [tilespmem:s20+$0x420]  }
0x21: {  	v0 =	vld [tilespmem:s20+$0x430]  }
0x22: {  	v13 =	vld [tilespmem:s20+$0x20]  }
0x23: {  	v14 =	vld [tilespmem:s20+$0xFFFFFC10]  }
0x24: {  	v11 =	vld [tilespmem:s20+$0xFFFFF810]  }
0x25: {  	v6 =	vld [tilespmem:s20+$0xFFFFF830]  }
0x26: {  	v10 =	vld [tilespmem:s20+$0x410]  }
0x27: {  	v16 =	vld [tilespmem:s20+$0xFFFFF820];
	v2 =	vmul.f32 $1.442695020e+00, v5  }
0x28: {  	v7 =	vimm.f32 $-Inf;
	v23 =	vld [tilespmem:s20+$0x0];
	v3 =	vmul.f32 $1.442695020e+00, v12;
	v18 =	vmul.f32 $1.442695020e+00, v0  }
0x29: {  	v4 =	vimm.s32 $0x0;
	v19 =	vmul.f32 $1.442695020e+00, v13;
	(erf) = vpow2.f32 v2;
	v2 =	vld [tilespmem:s20+$0xFFFFFC30]  }
0x2a: {  	v9 =	vimm.f32 $0.0e+00;
	v32 =	vld [tilespmem:s20+$0xFFFFFC00];
	v17 =	vmul.f32 $1.442695020e+00, v14;
	v20 =	vmul.f32 $1.442695020e+00, v8  }
0x2b: {  	vm0 =	vgt.f32 v5, v7;
	v24 =	vmul.f32 $1.442695020e+00, v1;
	v26 =	vmul.f32 $1.442695020e+00, v10  }
0x2c: {  	vm1 =	vgt.f32 v11, v7;
	v27 =	vmul.f32 $1.442695020e+00, v16;
	(erf) = vpow2.f32 v3;
	v3 =	vld [tilespmem:s20+$0x400]  }
0x2d: {  	s21 =	simm.s32 $0x0;
	v25 =	vld [tilespmem:s20+$0xFFFFFC20];
	v28 =	vmul.f32 $1.442695020e+00, v6;
	v30 =	vmul.f32 $1.442695020e+00, v23;
	v21 =	vsel vm1, v11, v7  }
0x2e: {  	v22 =	vsel vm0, s21, v4;
	vm2 =	vgt.f32 v14, v21;
	v15 =	vmul.f32 $1.442695020e+00, v2  }
0x2f: {  	v31 =	vsel vm0, v5, v7;
	v5 =	vsel vm2, v14, v21;
	v21 =	vmul.f32 $1.442695020e+00, v32  }
0x30: {  	v29 =	vsel vm1, s21, v4;
	(erf) = vpow2.f32 v15;
	v15 =	vmul.f32 $1.442695020e+00, v11  }
0x31: {  	s23 =	simm.s32 $0x1;
	vm0 =	vgt.f32 v16, v7;
	v33 =	vmul.f32 $1.442695020e+00, v3;
	(erf) = vpow2.f32 v17  }
0x32: {  	v14 =	vsel vm2, s23, v29;
	v17 =	vmul.f32 $1.442695020e+00, v25;
	(erf) = vpow2.f32 v15  }
0x33: {  	v11 =	vpop (erf);
	v15 =	vsel vm0, v16, v7;
	v16 =	vsel vm0, s21, v4;
	(erf) = vpow2.f32 v20  }
0x34: {  	v11 =	vadd.f32 v11, v9;
	vm1 =	vgt.f32 v25, v15;
	(erf) = vpow2.f32 v30  }
0x35: {  	v15 =	vsel vm1, v25, v15;
	v16 =	vsel vm1, s23, v16;
	(erf) = vpow2.f32 v24  }
0x36: {  	vm1 =	vgt.f32 v8, v5;
	vm2 =	vgt.f32 v13, v15;
	(erf) = vpow2.f32 v28  }
0x37: {  	s24 =	simm.s32 $0x2;
	v20 =	vsel vm1, v8, v5;
	v8 =	vsel vm2, v13, v15;
	(erf) = vpow2.f32 v27  }
0x38: {  	v5 =	vpop (erf);
	vm0 =	vgt.f32 v10, v20;
	v15 =	vsel vm1, s24, v14;
	(erf) = vpow2.f32 v21  }
0x39: {  	v16 =	vsel vm2, s24, v16;
	vm2 =	vgt.f32 v32, v31;
	vm1 =	vgt.f32 v12, v8;
	v14 =	vpop (erf)  }
0x3a: {  	v8 =	vsel vm1, v12, v8;
	v12 =	vsel vm2, v32, v31;
	(erf) = vpow2.f32 v19;
	v21 =	vpop (erf)  }
0x3b: {  	v63 =	vsel vm2, s23, v22;
	vm2 =	vgt.f32 v23, v12;
	(erf) = vpow2.f32 v18;
	v13 =	vpop (erf)  }
0x3c: {  	v22 =	vsel vm2, v23, v12;
	v18 =	vsel vm2, s24, v63;
	(erf) = vpow2.f32 v33;
	v19 =	vpop (erf)  }
0x3d: {  	s22 =	simm.s32 $0x3;
	s25 =	simm.s32 $0x7;
	s26 =	sadd.s32 $0x1000, s20;
	v12 =	vimm.f32 $0.0e+00;
	v13 =	vadd.f32 v13, v9;
	(erf) = vpow2.f32 v26;
	v23 =	vpop (erf)  }
.LBB2_4:
0x3e: {  	v24 =	vld [tilespmem:s26+$0xFFFFF800];
	p0 =	sne.s32 s25, $0x4F;
	vm2 =	vgt.f32 v6, v7;
	v20 =	vsel vm0, v10, v20;
	v16 =	vsel vm1, s22, v16;
	v10 =	vpop (erf);
	s28 =	smov.u32 s25;
	s25 =	sadd.s32 $0x4, s25  }
0x3f: {  	v15 =	vsel vm0, s22, v15;
	v25 =	vld [tilespmem:s26+$0x10];
	v6 =	vsel vm2, v6, v7;
	v7 =	vpop (erf);
	(erf) = vpow2.f32 v17  }
0x40: {  	v21 =	vadd.f32 v21, v13;
	v4 =	vsel vm2, s21, v4;
	v17 =	vld [tilespmem:s26+$0x30];
	vm0 =	vgt.f32 v2, v6;
	v26 =	vpop (erf)  }
0x41: {  	v7 =	vadd.f32 v7, v12;
	v13 =	vld [tilespmem:s26+$0x420];
	v9 =	vadd.f32 v26, v9;
	v6 =	vsel vm0, v2, v6;
	v2 =	vpop (erf)  }
0x42: {  	v4 =	vsel vm0, s23, v4;
	vm0 =	vgt.f32 v3, v22;
	v26 =	vld [tilespmem:s26+$0x430];
	v11 =	vadd.f32 v2, v11  }
0x43: {  	vm1 =	vgt.f32 v1, v6;
	v22 =	vsel vm0, v3, v22;
	v12 =	vmul.f32 $1.442695020e+00, v24;
	v27 =	vld [tilespmem:s26+$0x20];
	v28 =	vpop (erf)  }
0x44: {  	v7 =	vadd.f32 v14, v7;
	v14 =	vsel vm0, s22, v18;
	v2 =	vld [tilespmem:s26+$0xFFFFFC30];
	v11 =	vadd.f32 v23, v11;
	v18 =	vpop (erf)  }
0x45: {  	v4 =	vsel vm1, s24, v4;
	v23 =	vld [tilespmem:s26+$0xFFFFFC10];
	(erf) = vpow2.f32 v12;
	v12 =	vadd.f32 v19, v21;
	v19 =	vpop (erf)  }
0x46: {  	v33 =	vadd.f32 v10, v7;
	v3 =	vld [tilespmem:s26+$0x400];
	v21 =	vmul.f32 $1.442695020e+00, v13;
	v11 =	vadd.f32 v19, v11;
	v10 =	vpop (erf)  }
0x47: {  	v30 =	vsel vm1, v1, v6;
	v1 =	vmovc v17;
	v19 =	vld [tilespmem:s26+$0xFFFFF810];
	v29 =	vmul.f32 $1.442695020e+00, v26;
	v31 =	vadd.f32 v10, v12  }
0x48: {  	vm0 =	vgt.f32 v24, v22;
	v12 =	vadd.f32 v18, v33;
	v6 =	vld [tilespmem:s26+$0xFFFFF830];
	v32 =	vmul.f32 $1.442695020e+00, v27;
	v7 =	vpop (erf)  }
0x49: {  	s21 =	sadd.s32 $0xFFFFFFFD, s28;
	vm1 =	vgt.f32 v0, v30;
	v17 =	vmul.f32 $1.442695020e+00, v2;
	v10 =	vld [tilespmem:s26+$0x410];
	v9 =	vadd.f32 v7, v9  }
0x4a: {  	v18 =	vsel vm0, s21, v14;
	v7 =	vsel vm1, v0, v30;
	v0 =	vmovc v26;
	v14 =	vld [tilespmem:s26+$0xFFFFF820];
	(erf) = vpow2.f32 v21  }
0x4b: {  	v21 =	vmul.f32 $1.442695020e+00, v23;
	v26 =	vld [tilespmem:s26+$0x0];
	(erf) = vpow2.f32 v17;
	v9 =	vadd.f32 v28, v9  }
0x4c: {  	v28 =	vmul.f32 $1.442695020e+00, v25;
	vm2 =	vgt.f32 v19, v20;
	v17 =	vmul.f32 $1.442695020e+00, v19  }
0x4d: {  	v4 =	vsel vm1, s22, v4;
	s22 =	smov.u32 s28;
	v19 =	vsel vm2, v19, v20;
	v20 =	vmul.f32 $1.442695020e+00, v1  }
0x4e: {  	v9 =	vadd.f32 v5, v9;
	vm1 =	vgt.f32 v23, v19;
	v30 =	vld [tilespmem:s26+$0xFFFFFC20];
	v33 =	vmul.f32 $1.442695020e+00, v10;
	v34 =	vpop (erf)  }
0x4f: {  	v35 =	vmul.f32 $1.442695020e+00, v6;
	v11 =	vadd.f32 v34, v11;
	v34 =	vmul.f32 $1.442695020e+00, v14  }
0x50: {  	v5 =	vsel vm2, s21, v15;
	v15 =	vmul.f32 $1.442695020e+00, v26;
	(erf) = vpow2.f32 v21  }
0x51: {  	v22 =	vsel vm0, v24, v22;
	s23 =	sadd.s32 $0xFFFFFFFE, s22;
	v19 =	vsel vm1, v23, v19;
	v23 =	vmul.f32 $1.442695020e+00, v3;
	v24 =	vld [tilespmem:s26+$0xFFFFFC00]  }
0x52: {  	vm0 =	vgt.f32 v14, v8;
	v21 =	vsel vm1, s23, v5;
	(erf) = vpow2.f32 v17  }
0x53: {  	v8 =	vsel vm0, v14, v8;
	v17 =	vmul.f32 $1.442695020e+00, v30;
	(erf) = vpow2.f32 v28;
	v5 =	vpop (erf)  }
0x54: {  	v16 =	vsel vm0, s21, v16;
	vm0 =	vgt.f32 v30, v8;
	v14 =	vpop (erf);
	(erf) = vpow2.f32 v15  }
0x55: {  	v8 =	vsel vm0, v30, v8;
	v16 =	vsel vm0, s23, v16;
	(erf) = vpow2.f32 v20  }
0x56: {  	vm1 =	vgt.f32 v25, v19;
	v15 =	vmul.f32 $1.442695020e+00, v24;
	(erf) = vpow2.f32 v35  }
0x57: {  	v20 =	vsel vm1, v25, v19;
	vm2 =	vgt.f32 v27, v8;
	(erf) = vpow2.f32 v34  }
0x58: {  	s24 =	sadd.s32 $0xFFFFFFFF, s22;
	v8 =	vsel vm2, v27, v8;
	vm0 =	vgt.f32 v10, v20;
	(erf) = vpow2.f32 v15  }
.Ltmp0:
0x59: {  	v16 =	vsel vm2, s24, v16;
	v15 =	vsel vm1, s24, v21;
	vm1 =	vgt.f32 v13, v8;
	v21 =	vpop (erf);
	(pc) =	sbr.rel @p0 .LBB2_4-.Ltmp0, $4  }
0x5a: {  	vm2 =	vgt.f32 v24, v22;
	v8 =	vsel vm1, v13, v8;
	(erf) = vpow2.f32 v32  }
0x5b: {  	v22 =	vsel vm2, v24, v22;
	v18 =	vsel vm2, s23, v18;
	v13 =	vpop (erf);
	(erf) = vpow2.f32 v29  }
0x5c: {  	vm2 =	vgt.f32 v26, v22;
	v13 =	vadd.f32 v13, v31;
	v19 =	vpop (erf);
	(erf) = vpow2.f32 v23  }
0x5d: {  	s26 =	sadd.s32 $0x1000, s26;
	v22 =	vsel vm2, v26, v22;
	v18 =	vsel vm2, s24, v18;
	v23 =	vpop (erf);
	(erf) = vpow2.f32 v33  }
0x5e: {  	(erf) = vpow2.f32 v17  }
0x5f: {  	v35 =	vpop (erf)  }
0x60: {  	v24 =	vpop (erf)  }
0x61: {  	v25 =	vpop (erf)  }
0x62: {  	vm2 =	vgt.f32 v6, v7;
	v26 =	vpop (erf)  }
0x63: {  	v10 =	vsel vm0, v10, v20;
	v13 =	vadd.f32 v21, v13;
	vm5 =	vgt.f32 v3, v22;
	v37 =	vpop (erf)  }
0x64: {  	v45 =	vmul.f32 $1.442695020e+00, v8;
	v6 =	vsel vm2, v6, v7;
	v11 =	vadd.f32 v26, v11;
	v38 =	vpop (erf)  }
0x65: {  	v3 =	vsel vm5, v3, v22;
	v43 =	vmul.f32 $1.442695020e+00, v10;
	v36 =	vadd.f32 v24, v12;
	v39 =	vpop (erf)  }
0x66: {  	vm3 =	vgt.f32 v2, v6;
	v9 =	vadd.f32 v25, v9;
	v40 =	vadd.f32 v23, v11;
	v41 =	vpop (erf)  }
0x67: {  	v13 =	vadd.f32 v19, v13;
	v3 =	vmul.f32 $1.442695020e+00, v3;
	v2 =	vsel vm3, v2, v6;
	v42 =	vpop (erf)  }
0x68: {  	vm4 =	vgt.f32 v1, v2;
	v6 =	vadd.f32 v39, v40;
	v9 =	vadd.f32 v42, v9  }
0x69: {  	v7 =	vadd.f32 v14, v36;
	(erf) = vpow2.f32 v3;
	v1 =	vsel vm4, v1, v2  }
0x6a: {  	v44 =	vadd.f32 v41, v13;
	(erf) = vrcp.f32 v6;
	v9 =	vadd.f32 v37, v9  }
0x6b: {  	v7 =	vadd.f32 v35, v7;
	vm6 =	vgt.f32 v0, v1;
	(erf) = vpow2.f32 v43  }
0x6c: {  	v0 =	vsel vm6, v0, v1;
	(erf) = vrcp.f32 v44;
	v46 =	vadd.f32 v5, v9  }
0x6d: {  	v0 =	vmul.f32 $1.442695020e+00, v0;
	(erf) = vpow2.f32 v45  }
0x6e: {  	v47 =	vadd.f32 v38, v7;
	(erf) = vrcp.f32 v46  }
0x6f: {  	(erf) = vpow2.f32 v0  }
0x70: {  	(erf) = vrcp.f32 v47;
	_ =	sdelay $0x1  }
0x71: {  	v48 =	vpop (erf)  }
0x72: {  	v49 =	vpop (erf)  }
0x73: {  	s25 =	sshll.u32 s19, $0x6;
	v56 =	vsel vm0, s22, v15;
	v59 =	vsel vm2, s21, v4;
	v50 =	vpop (erf)  }
0x74: {  	v61 =	vsel vm1, s22, v16;
	[tilespmem:s25+$0x14210] =	vst v56;
	v2 =	vsel vm3, s23, v59;
	v51 =	vpop (erf)  }
0x75: {  	s19 =	sadd.s32 $0x1, s19;
	v52 =	vsel vm5, s22, v18;
	[tilespmem:s25+$0x14220] =	vst v61;
	v63 =	vsel vm4, s24, v2;
	v54 =	vpop (erf)  }
0x76: {  	p0 =	sne.s32 s19, $0x8;
	[tilespmem:s25+$0x14200] =	vst v52;
	v1 =	vsel vm6, s22, v63;
	v0 =	vmul.f32 v49, v48;
	v55 =	vpop (erf)  }
.Ltmp1:
0x77: {  	[tilespmem:s25+$0x14230] =	vst v1;
	v53 =	vmul.f32 v51, v50;
	v58 =	vpop (erf);
	(pc) =	sbr.rel @p0 .LBB2_3-.Ltmp1, $4  }
0x78: {  	[tilespmem:s25+$0x14000] =	vst v0;
	v57 =	vmul.f32 v55, v54;
	v60 =	vpop (erf)  }
0x79: {  	[tilespmem:s25+$0x14010] =	vst v53;
	v62 =	vmul.f32 v60, v58  }
0x7a: {  	[tilespmem:s25+$0x14020] =	vst v57  }
0x7b: {  	s20 =	sadd.s32 $0x80, s20;
	[tilespmem:s25+$0x14030] =	vst v62  }
0x7c: {  	s17 =	sshll.u32 s17, $0xC;
	s18 =	sshll.u32 s18, $0x7  }
0x7d: {  	s17 =	sor.u32 s18, s17  }
0x7e: {  	s17 =	sshrl.u32 s17, $0x3  }
0x7f: {  	s31 =	sadd.s32 s2, s17  }
0x80: {  	[hbm4b:s31+s12] =	stream.strided.scatter [tilespmem:s13], [sflag:$0x2], $0x200, s9, s12, $0x38;
	[tilespmem:$0x14400] =	vst v63  }
0x81: {  	s16 =	sadd.s32 $0x1, s16;
	_ =	swait.ge [sflag:s14], $0x200  }
0x82: {  	p0 =	slt.u32 s16, s7;
	[sflag:s14] =	ssyncset.done $0x0  }
.Ltmp2:
0x83: {  	s17 =	sadd.s32 s3, s17;
	[sflag:s14] =	ssyncadd.s32 $0xFFFFFE00;
	(pc) =	sbr.rel @p0 .LBB2_2-.Ltmp2, $4  }
0x84: {  	[hbm4b:s17+s12] =	stream.strided.scatter [tilespmem:s15], [sflag:$0x2], $0x200, s9, s12, $0x38;
	[tilespmem:$0x14400] =	vst v63  }
0x85: {  	_ =	swait.ge [sflag:s14], $0x200  }
0x86: {  	[sflag:s14] =	ssyncset.done $0x0  }
0x87: {  	[sflag:s14] =	ssyncadd.s32 $0xFFFFFE00  }
0x88: {  	s4 =	sadd.s32 $0x1, s4  }
0x89: {  	p0 =	sne.s32 s4, s8  }
.Ltmp3:
0x8a: {  	_ = 	snop;
	(pc) =	sbr.rel @p0 .LBB2_1-.Ltmp3, $1  }
0x8b: {  	_ =	sdelay $0x3  }
0x8c: {  	_ =	sfence.sel $0x180000  }
0x8d: {  	[bflag:$0x0] =	sbarrier.arrive $0xFFFF  }
0x8e: {  	p0 =	sne.s32 s1, $0x0;
	_ =	strace $0x90000047  }
0x8f: {  	s0 =	sadd.s32 @!p0 $0x100000, s0;
	[bflag:$0x2] =	sbarrier.arrive $0xFFFF  }
0x90: {  	[sflag:s0] =	ssyncadd.tile.s32 @!p0 $0x1;
	_ =	shalt  }
.Lfunc_end2:
_tile_overlayer_lowered:
.L_overlay_start_2:
0x91: {  	(tag) =	ssettag $0x2  }
0x92: {  	s0 =	rddreg [dreg:$0x0];
	s2 =	stileid.u32  }
0x93: {  	s1 =	rddreg [dreg:$0x1];
	p0 =	sne.s32 s2, $0x0  }
0x94: {  	s3 =	rddreg [dreg:$0x2];
	[bflag:$0x3] =	sbarrier.arrive $0xFFFF;
	s2 =	simm.s32 @!p0 $0x1C02  }
0x95: {  	[timem:s3], [sflag:s2] =	dma.local @!p0 [hbm:s0], s1  }
0x96: {  	s0 =	simm.s32 @!p0 $0x2  }
0x97: {  	_ =	swait.ge @!p0 [sflag:s0], s1  }
0x98: {  	s1 =	ssub.s32 @!p0 $0x0, s1;
	[sflag:s0] =	ssyncset.done @!p0 $0x0  }
0x99: {  	[sflag:s0] =	ssyncadd.s32 @!p0 s1  }
0x9a: {  	[bflag:$0x3] =	sbarrier.arrive $0xFFFF  }
0x9b: {  	_ =	shalt  }

</sc_bundles>
